<compile_context>
chip_gen: v7x
topology: tpu7x:2x2x1
jax: 0.10.2.dev20260603
libtpu: 0.0.44.dev20260713+nightly
codegen_flags: <defaults>
</compile_context>

<pallas_src>
import jax
import jax.numpy as jnp
from jax import lax
from jax.experimental import pallas as pl
from jax.experimental.pallas import tpu as pltpu
from jax.experimental.pallas import tpu_sc as plsc

NC = 2
NS = 16
NW = NC * NS

B = 16384
F = 26
D = 16
V = 2600000
CB = 128
NJ = F * CB // 128
CHUNKS = B // (NW * CB)

TBLK = 16384
NBLK = -(-V // TBLK)
SUB = TBLK // 8
V_PAD = NBLK * TBLK


def _transpose_body(in_ref, out_ref):
    x = in_ref[...]
    parts = [lax.slice(x, (0, k * SUB), (D, (k + 1) * SUB)) for k in range(8)]
    stacked = jnp.concatenate(parts, axis=0)
    ident = jnp.eye(128, dtype=jnp.float32)
    out_ref[...] = lax.dot_general(
        stacked, ident, (((0,), (0,)), ((), ())),
        preferred_element_type=jnp.float32,
    )


def _relayout_table(embT):
    return pl.pallas_call(
        _transpose_body,
        grid=(NBLK,),
        in_specs=[pl.BlockSpec((D, TBLK), lambda i: (0, i))],
        out_specs=pl.BlockSpec((SUB, 128), lambda i: (i, 0)),
        out_shape=jax.ShapeDtypeStruct((V_PAD // 8, 128), jnp.float32),
    )(embT)


def _packed_slot(r):
    return (r & ~(TBLK - 1)) + ((r & (SUB - 1)) << 3) + ((r >> 11) & 7)


EB = 2048
FD = F * D


def _epilogue_body(rows_ref, bias_ref, out_ref):
    y = rows_ref[...] + bias_ref[...]
    ident = jnp.eye(FD, dtype=jnp.float32)
    t = lax.dot_general(
        ident, y, (((0,), (1,)), ((), ())), preferred_element_type=jnp.float32
    )
    out_ref[...] = t.reshape(F, D, EB)


def _bias_and_relayout(rows, bias_flat):
    return pl.pallas_call(
        _epilogue_body,
        grid=(B // EB,),
        in_specs=[
            pl.BlockSpec((EB, FD), lambda j: (j, 0)),
            pl.BlockSpec((1, FD), lambda j: (0, 0)),
        ],
        out_specs=pl.BlockSpec((F, D, EB), lambda j: (0, 0, j)),
        out_shape=jax.ShapeDtypeStruct((F, D, B), jnp.float32),
    )(rows, bias_flat)


def _gather_body(idx_hbm, emb_hbm, out_hbm, idx_v, rows_v, sem):
    wid = lax.axis_index("s") * NC + lax.axis_index("c")

    for c in range(CHUNKS):
        pltpu.sync_copy(idx_hbm.at[wid, c], idx_v)

        def fire(j, carry):
            pltpu.async_copy(emb_hbm.at[idx_v.at[j]], rows_v.at[j], sem)
            return carry

        lax.fori_loop(0, NJ, fire, None)

        pltpu.make_async_copy(out_hbm.at[wid, c], rows_v, sem).wait()

        pltpu.sync_copy(rows_v, out_hbm.at[wid, c])


def _tokenizer(x, embeddings, bias, category_offsets):
    idx = _packed_slot(x + category_offsets[None, :]).reshape(NW, CHUNKS, NJ, 128)
    emb_lin = _relayout_table(embeddings.T).reshape(V_PAD, D)
    run = pl.kernel(
        _gather_body,
        out_type=jax.ShapeDtypeStruct((NW, CHUNKS, NJ, 128, D), jnp.float32),
        mesh=plsc.VectorSubcoreMesh(core_axis_name="c", subcore_axis_name="s"),
        scratch_types=[
            pltpu.VMEM((NJ, 128), jnp.int32),
            pltpu.VMEM((NJ, 128, D), jnp.float32),
            pltpu.SemaphoreType.DMA,
        ],
        compiler_params=pltpu.CompilerParams(use_tc_tiling_on_sc=False),
    )
    rows = run(idx, emb_lin)
    outT = _bias_and_relayout(rows.reshape(B, FD), bias.reshape(1, FD))
    return jnp.transpose(outT, (2, 0, 1))


def kernel(x, embeddings, bias, category_offsets):
    return jax.jit(_tokenizer)(x, embeddings, bias, category_offsets)

# --- scband reference (transcript-rebuilt; emitter-appended) ---
"""Pipeline reference for scband-categorical-feature-tokenizer-89790586290883 (READ-ONLY COPY).

The authoritative reference and input builder live on the scoring server;
editing this copy changes nothing except your own understanding.
"""

import jax, jax.numpy as jnp
import numpy as np

NUM_CATEGORIES = [100000] * 26
TOKEN_DIM = 16
BATCH = 16384
N_FIELDS = len(NUM_CATEGORIES)
TOTAL_ROWS = sum(NUM_CATEGORIES)


def setup_inputs(seed: int = 0) -> dict:
    key = jax.random.key(seed)
    k1, k2 = jax.random.split(key, 2)
    # forward arg: per-field categorical indices, each in [0, num_categories[f])
    x = jax.random.randint(k1, (BATCH, N_FIELDS), 0, NUM_CATEGORIES[0], dtype=jnp.int32)
    # learned parameters
    embeddings = jax.random.normal(k2, (TOTAL_ROWS, TOKEN_DIM), dtype=jnp.float32) * 0.02
    bias = jnp.zeros((N_FIELDS, TOKEN_DIM), dtype=jnp.float32)
    # buffer: cumulative offsets so each field indexes its own slice of the table
    category_offsets = jnp.asarray(np.cumsum([0] + NUM_CATEGORIES[:-1]), dtype=jnp.int32)
    return {"x": x, "embeddings": embeddings, "bias": bias, "category_offsets": category_offsets}


def reference(x, embeddings, bias, category_offsets):
    # x: int32[B, F]; embeddings: float32[sum(C), D]; bias: float32[F, D]
    idx = x + category_offsets[None]            # [B, F]
    out = jnp.take(embeddings, idx, axis=0)     # gather -> [B, F, D]
    out = out + bias[None]                      # [B, F, D]
    return out

if __name__ == "__main__":
    import jax
    _d = setup_inputs()
    print(jax.jit(kernel)(*tuple(_d.values())))

</pallas_src>

<mosaic_0001>
#map = affine_map<(d0, d1) -> (0, 0, 0, 0)>
#map1 = affine_map<(d0, d1) -> (0, 0)>
#map2 = affine_map<(d0, d1) -> (0, 0, 0, 0, 0)>
module attributes {stable_mosaic.version = 14 : i64} {
  func.func @_gather_body(%arg0: i32, %arg1: i32, %arg2: memref<32x4x26x128xi32, #tpu.memory_space<hbm>>, %arg3: memref<2605056x16xf32, #tpu.memory_space<hbm>>, %arg4: memref<32x4x26x128x16xf32, #tpu.memory_space<hbm>>, %arg5: memref<26x128xi32, #tpu.memory_space<vmem>>, %arg6: memref<26x128x16xf32, #tpu.memory_space<vmem>>, %arg7: memref<!tpu.dma_semaphore, #tpu.memory_space<semaphore_mem>>) attributes {dimension_semantics = [#tpu.dimension_semantics<core_parallel>, #tpu.dimension_semantics<subcore_parallel>], iteration_bounds = array<i64: 2, 16>, scalar_prefetch = 0 : i64, scratch_operands = 3 : i64, tpu.core_type = #tpu.core_type<sc_vector_subcore>, window_params = [{transform_indices = #map}, {transform_indices = #map1}, {transform_indices = #map2}]} {
    %mul3A = arith.constant 2 : i32
    %mul3A_0 = arith.muli %arg1, %mul3A : i32
    %add3A = arith.addi %mul3A_0, %arg0 : i32
    %run_scoped3A = arith.constant 0 : i32
    "tpu.region"() ({
      %run_scoped3A_70 = tpu.sem_alloc : memref<!tpu.dma_semaphore, #tpu.memory_space<semaphore_mem>>
      %dma_start3A = arith.constant 0 : i32
      %dma_start3A_71 = arith.constant 0 : i32
      %dma_start3A_72 = tpu.memref_slice %arg2[%add3A, %run_scoped3A, %dma_start3A, %dma_start3A_71] : memref<32x4x26x128xi32, #tpu.memory_space<hbm>> -> memref<1x1x26x128xi32, #tpu.memory_space<hbm>>
      %dma_start3A_73 = tpu.memref_squeeze %dma_start3A_72 : memref<1x1x26x128xi32, #tpu.memory_space<hbm>> -> memref<26x128xi32, #tpu.memory_space<hbm>>
      %dma_start3A_74 = arith.constant 0 : i32
      %dma_start3A_75 = arith.constant 0 : i32
      %dma_start3A_76 = tpu.memref_slice %arg2[%add3A, %run_scoped3A, %dma_start3A_74, %dma_start3A_75] : memref<32x4x26x128xi32, #tpu.memory_space<hbm>> -> memref<1x1x26x128xi32, #tpu.memory_space<hbm>>
      %dma_start3A_77 = tpu.memref_squeeze %dma_start3A_76 : memref<1x1x26x128xi32, #tpu.memory_space<hbm>> -> memref<26x128xi32, #tpu.memory_space<hbm>>
      tpu.enqueue_dma source(%dma_start3A_77 : memref<26x128xi32, #tpu.memory_space<hbm>>) target(%arg5 : memref<26x128xi32, #tpu.memory_space<vmem>>) target_semaphore(%run_scoped3A_70 : memref<!tpu.dma_semaphore, #tpu.memory_space<semaphore_mem>>)
      %dma_wait3A_78 = arith.constant 0 : i32
      %dma_wait3A_79 = arith.constant 0 : i32
      %dma_wait3A_80 = tpu.memref_slice %arg2[%add3A, %run_scoped3A, %dma_wait3A_78, %dma_wait3A_79] : memref<32x4x26x128xi32, #tpu.memory_space<hbm>> -> memref<1x1x26x128xi32, #tpu.memory_space<hbm>>
      %dma_wait3A_81 = tpu.memref_squeeze %dma_wait3A_80 : memref<1x1x26x128xi32, #tpu.memory_space<hbm>> -> memref<26x128xi32, #tpu.memory_space<hbm>>
      %dma_wait3A_82 = arith.constant 0 : i32
      %dma_wait3A_83 = arith.constant 0 : i32
      %dma_wait3A_84 = tpu.memref_slice %arg2[%add3A, %run_scoped3A, %dma_wait3A_82, %dma_wait3A_83] : memref<32x4x26x128xi32, #tpu.memory_space<hbm>> -> memref<1x1x26x128xi32, #tpu.memory_space<hbm>>
      %dma_wait3A_85 = tpu.memref_squeeze %dma_wait3A_84 : memref<1x1x26x128xi32, #tpu.memory_space<hbm>> -> memref<26x128xi32, #tpu.memory_space<hbm>>
      tpu.wait_dma2 semaphore(%run_scoped3A_70 : memref<!tpu.dma_semaphore, #tpu.memory_space<semaphore_mem>>) src(%dma_wait3A_85 : memref<26x128xi32, #tpu.memory_space<hbm>>) dst(%arg5 : memref<26x128xi32, #tpu.memory_space<vmem>>)
      tpu.yield
    }) : () -> ()
    %scan3A = arith.constant 0 : i32
    %scan3A_1 = arith.constant 26 : i32
    %scan3A_2 = arith.addi %scan3A, %scan3A_1 : i32
    %scan3A_3 = arith.constant 1 : i32
    scf.for %scan3A_70 = %scan3A to %scan3A_2 step %scan3A_3  : i32 {
      %dma_start3A = arith.constant 0 : i32
      %dma_start3A_71 = arith.constant 0 : i32
      %dma_start3A_72 = tpu.memref_slice %arg6[%scan3A_70, %dma_start3A, %dma_start3A_71] : memref<26x128x16xf32, #tpu.memory_space<vmem>> -> memref<1x128x16xf32, #tpu.memory_space<vmem>>
      %dma_start3A_73 = tpu.memref_squeeze %dma_start3A_72 : memref<1x128x16xf32, #tpu.memory_space<vmem>> -> memref<128x16xf32, #tpu.memory_space<vmem>>
      %dma_start3A_74 = arith.constant 0 : i32
      %dma_start3A_75 = tpu.memref_slice %arg5[%scan3A_70, %dma_start3A_74] : memref<26x128xi32, #tpu.memory_space<vmem>> -> memref<1x128xi32, #tpu.memory_space<vmem>>
      %dma_start3A_76 = tpu.memref_squeeze %dma_start3A_75 : memref<1x128xi32, #tpu.memory_space<vmem>> -> memref<128xi32, #tpu.memory_space<vmem>>
      %dma_start3A_77 = arith.constant 0 : i32
      %dma_start3A_78 = arith.constant 0 : i32
      %dma_start3A_79 = tpu.memref_slice %arg3[%dma_start3A_77, %dma_start3A_78] : memref<2605056x16xf32, #tpu.memory_space<hbm>> -> memref<2605056x16xf32, #tpu.memory_space<hbm>>
      tpu.enqueue_indirect_dma source(%dma_start3A_79 : memref<2605056x16xf32, #tpu.memory_space<hbm>>) target(%dma_start3A_73 : memref<128x16xf32, #tpu.memory_space<vmem>>) offsets(%dma_start3A_76 : memref<128xi32, #tpu.memory_space<vmem>>) semaphore(%arg7 : memref<!tpu.dma_semaphore, #tpu.memory_space<semaphore_mem>>)
    }
    %scan3A_4 = arith.constant 26 : i32
    %dma_wait3A = arith.constant 0 : i32
    %dma_wait3A_5 = arith.constant 0 : i32
    %dma_wait3A_6 = arith.constant 0 : i32
    %dma_wait3A_7 = arith.constant 0 : i32
    %dma_wait3A_8 = tpu.memref_slice %arg4[%add3A, %dma_wait3A, %dma_wait3A_5, %dma_wait3A_6, %dma_wait3A_7] : memref<32x4x26x128x16xf32, #tpu.memory_space<hbm>> -> memref<1x1x26x128x16xf32, #tpu.memory_space<hbm>>
    %dma_wait3A_9 = tpu.memref_squeeze %dma_wait3A_8 : memref<1x1x26x128x16xf32, #tpu.memory_space<hbm>> -> memref<26x128x16xf32, #tpu.memory_space<hbm>>
    %dma_wait3A_10 = arith.constant 0 : i32
    %dma_wait3A_11 = arith.constant 0 : i32
    %dma_wait3A_12 = arith.constant 0 : i32
    %dma_wait3A_13 = tpu.memref_slice %arg4[%add3A, %dma_wait3A, %dma_wait3A_10, %dma_wait3A_11, %dma_wait3A_12] : memref<32x4x26x128x16xf32, #tpu.memory_space<hbm>> -> memref<1x1x26x128x16xf32, #tpu.memory_space<hbm>>
    %dma_wait3A_14 = tpu.memref_squeeze %dma_wait3A_13 : memref<1x1x26x128x16xf32, #tpu.memory_space<hbm>> -> memref<26x128x16xf32, #tpu.memory_space<hbm>>
    tpu.wait_dma2 semaphore(%arg7 : memref<!tpu.dma_semaphore, #tpu.memory_space<semaphore_mem>>) src(%dma_wait3A_14 : memref<26x128x16xf32, #tpu.memory_space<hbm>>) dst(%arg6 : memref<26x128x16xf32, #tpu.memory_space<vmem>>)
    %run_scoped3A_15 = arith.constant 0 : i32
    "tpu.region"() ({
      %run_scoped3A_70 = tpu.sem_alloc : memref<!tpu.dma_semaphore, #tpu.memory_space<semaphore_mem>>
      %dma_start3A = arith.constant 0 : i32
      %dma_start3A_71 = arith.constant 0 : i32
      %dma_start3A_72 = arith.constant 0 : i32
      %dma_start3A_73 = tpu.memref_slice %arg4[%add3A, %run_scoped3A_15, %dma_start3A, %dma_start3A_71, %dma_start3A_72] : memref<32x4x26x128x16xf32, #tpu.memory_space<hbm>> -> memref<1x1x26x128x16xf32, #tpu.memory_space<hbm>>
      %dma_start3A_74 = tpu.memref_squeeze %dma_start3A_73 : memref<1x1x26x128x16xf32, #tpu.memory_space<hbm>> -> memref<26x128x16xf32, #tpu.memory_space<hbm>>
      %dma_start3A_75 = arith.constant 0 : i32
      %dma_start3A_76 = arith.constant 0 : i32
      %dma_start3A_77 = arith.constant 0 : i32
      %dma_start3A_78 = tpu.memref_slice %arg4[%add3A, %run_scoped3A_15, %dma_start3A_75, %dma_start3A_76, %dma_start3A_77] : memref<32x4x26x128x16xf32, #tpu.memory_space<hbm>> -> memref<1x1x26x128x16xf32, #tpu.memory_space<hbm>>
      %dma_start3A_79 = tpu.memref_squeeze %dma_start3A_78 : memref<1x1x26x128x16xf32, #tpu.memory_space<hbm>> -> memref<26x128x16xf32, #tpu.memory_space<hbm>>
      tpu.enqueue_dma source(%arg6 : memref<26x128x16xf32, #tpu.memory_space<vmem>>) target(%dma_start3A_79 : memref<26x128x16xf32, #tpu.memory_space<hbm>>) target_semaphore(%run_scoped3A_70 : memref<!tpu.dma_semaphore, #tpu.memory_space<semaphore_mem>>)
      %dma_wait3A_80 = arith.constant 0 : i32
      %dma_wait3A_81 = arith.constant 0 : i32
      %dma_wait3A_82 = arith.constant 0 : i32
      %dma_wait3A_83 = tpu.memref_slice %arg4[%add3A, %run_scoped3A_15, %dma_wait3A_80, %dma_wait3A_81, %dma_wait3A_82] : memref<32x4x26x128x16xf32, #tpu.memory_space<hbm>> -> memref<1x1x26x128x16xf32, #tpu.memory_space<hbm>>
      %dma_wait3A_84 = tpu.memref_squeeze %dma_wait3A_83 : memref<1x1x26x128x16xf32, #tpu.memory_space<hbm>> -> memref<26x128x16xf32, #tpu.memory_space<hbm>>
      %dma_wait3A_85 = arith.constant 0 : i32
      %dma_wait3A_86 = arith.constant 0 : i32
      %dma_wait3A_87 = arith.constant 0 : i32
      %dma_wait3A_88 = tpu.memref_slice %arg4[%add3A, %run_scoped3A_15, %dma_wait3A_85, %dma_wait3A_86, %dma_wait3A_87] : memref<32x4x26x128x16xf32, #tpu.memory_space<hbm>> -> memref<1x1x26x128x16xf32, #tpu.memory_space<hbm>>
      %dma_wait3A_89 = tpu.memref_squeeze %dma_wait3A_88 : memref<1x1x26x128x16xf32, #tpu.memory_space<hbm>> -> memref<26x128x16xf32, #tpu.memory_space<hbm>>
      tpu.wait_dma2 semaphore(%run_scoped3A_70 : memref<!tpu.dma_semaphore, #tpu.memory_space<semaphore_mem>>) src(%arg6 : memref<26x128x16xf32, #tpu.memory_space<vmem>>) dst(%dma_wait3A_89 : memref<26x128x16xf32, #tpu.memory_space<hbm>>)
      tpu.yield
    }) : () -> ()
    %run_scoped3A_16 = arith.constant 1 : i32
    "tpu.region"() ({
      %run_scoped3A_70 = tpu.sem_alloc : memref<!tpu.dma_semaphore, #tpu.memory_space<semaphore_mem>>
      %dma_start3A = arith.constant 0 : i32
      %dma_start3A_71 = arith.constant 0 : i32
      %dma_start3A_72 = tpu.memref_slice %arg2[%add3A, %run_scoped3A_16, %dma_start3A, %dma_start3A_71] : memref<32x4x26x128xi32, #tpu.memory_space<hbm>> -> memref<1x1x26x128xi32, #tpu.memory_space<hbm>>
      %dma_start3A_73 = tpu.memref_squeeze %dma_start3A_72 : memref<1x1x26x128xi32, #tpu.memory_space<hbm>> -> memref<26x128xi32, #tpu.memory_space<hbm>>
      %dma_start3A_74 = arith.constant 0 : i32
      %dma_start3A_75 = arith.constant 0 : i32
      %dma_start3A_76 = tpu.memref_slice %arg2[%add3A, %run_scoped3A_16, %dma_start3A_74, %dma_start3A_75] : memref<32x4x26x128xi32, #tpu.memory_space<hbm>> -> memref<1x1x26x128xi32, #tpu.memory_space<hbm>>
      %dma_start3A_77 = tpu.memref_squeeze %dma_start3A_76 : memref<1x1x26x128xi32, #tpu.memory_space<hbm>> -> memref<26x128xi32, #tpu.memory_space<hbm>>
      tpu.enqueue_dma source(%dma_start3A_77 : memref<26x128xi32, #tpu.memory_space<hbm>>) target(%arg5 : memref<26x128xi32, #tpu.memory_space<vmem>>) target_semaphore(%run_scoped3A_70 : memref<!tpu.dma_semaphore, #tpu.memory_space<semaphore_mem>>)
      %dma_wait3A_78 = arith.constant 0 : i32
      %dma_wait3A_79 = arith.constant 0 : i32
      %dma_wait3A_80 = tpu.memref_slice %arg2[%add3A, %run_scoped3A_16, %dma_wait3A_78, %dma_wait3A_79] : memref<32x4x26x128xi32, #tpu.memory_space<hbm>> -> memref<1x1x26x128xi32, #tpu.memory_space<hbm>>
      %dma_wait3A_81 = tpu.memref_squeeze %dma_wait3A_80 : memref<1x1x26x128xi32, #tpu.memory_space<hbm>> -> memref<26x128xi32, #tpu.memory_space<hbm>>
      %dma_wait3A_82 = arith.constant 0 : i32
      %dma_wait3A_83 = arith.constant 0 : i32
      %dma_wait3A_84 = tpu.memref_slice %arg2[%add3A, %run_scoped3A_16, %dma_wait3A_82, %dma_wait3A_83] : memref<32x4x26x128xi32, #tpu.memory_space<hbm>> -> memref<1x1x26x128xi32, #tpu.memory_space<hbm>>
      %dma_wait3A_85 = tpu.memref_squeeze %dma_wait3A_84 : memref<1x1x26x128xi32, #tpu.memory_space<hbm>> -> memref<26x128xi32, #tpu.memory_space<hbm>>
      tpu.wait_dma2 semaphore(%run_scoped3A_70 : memref<!tpu.dma_semaphore, #tpu.memory_space<semaphore_mem>>) src(%dma_wait3A_85 : memref<26x128xi32, #tpu.memory_space<hbm>>) dst(%arg5 : memref<26x128xi32, #tpu.memory_space<vmem>>)
      tpu.yield
    }) : () -> ()
    %scan3A_17 = arith.constant 0 : i32
    %scan3A_18 = arith.constant 26 : i32
    %scan3A_19 = arith.addi %scan3A_17, %scan3A_18 : i32
    %scan3A_20 = arith.constant 1 : i32
    scf.for %scan3A_70 = %scan3A_17 to %scan3A_19 step %scan3A_20  : i32 {
      %dma_start3A = arith.constant 0 : i32
      %dma_start3A_71 = arith.constant 0 : i32
      %dma_start3A_72 = tpu.memref_slice %arg6[%scan3A_70, %dma_start3A, %dma_start3A_71] : memref<26x128x16xf32, #tpu.memory_space<vmem>> -> memref<1x128x16xf32, #tpu.memory_space<vmem>>
      %dma_start3A_73 = tpu.memref_squeeze %dma_start3A_72 : memref<1x128x16xf32, #tpu.memory_space<vmem>> -> memref<128x16xf32, #tpu.memory_space<vmem>>
      %dma_start3A_74 = arith.constant 0 : i32
      %dma_start3A_75 = tpu.memref_slice %arg5[%scan3A_70, %dma_start3A_74] : memref<26x128xi32, #tpu.memory_space<vmem>> -> memref<1x128xi32, #tpu.memory_space<vmem>>
      %dma_start3A_76 = tpu.memref_squeeze %dma_start3A_75 : memref<1x128xi32, #tpu.memory_space<vmem>> -> memref<128xi32, #tpu.memory_space<vmem>>
      %dma_start3A_77 = arith.constant 0 : i32
      %dma_start3A_78 = arith.constant 0 : i32
      %dma_start3A_79 = tpu.memref_slice %arg3[%dma_start3A_77, %dma_start3A_78] : memref<2605056x16xf32, #tpu.memory_space<hbm>> -> memref<2605056x16xf32, #tpu.memory_space<hbm>>
      tpu.enqueue_indirect_dma source(%dma_start3A_79 : memref<2605056x16xf32, #tpu.memory_space<hbm>>) target(%dma_start3A_73 : memref<128x16xf32, #tpu.memory_space<vmem>>) offsets(%dma_start3A_76 : memref<128xi32, #tpu.memory_space<vmem>>) semaphore(%arg7 : memref<!tpu.dma_semaphore, #tpu.memory_space<semaphore_mem>>)
    }
    %scan3A_21 = arith.constant 26 : i32
    %dma_wait3A_22 = arith.constant 1 : i32
    %dma_wait3A_23 = arith.constant 0 : i32
    %dma_wait3A_24 = arith.constant 0 : i32
    %dma_wait3A_25 = arith.constant 0 : i32
    %dma_wait3A_26 = tpu.memref_slice %arg4[%add3A, %dma_wait3A_22, %dma_wait3A_23, %dma_wait3A_24, %dma_wait3A_25] : memref<32x4x26x128x16xf32, #tpu.memory_space<hbm>> -> memref<1x1x26x128x16xf32, #tpu.memory_space<hbm>>
    %dma_wait3A_27 = tpu.memref_squeeze %dma_wait3A_26 : memref<1x1x26x128x16xf32, #tpu.memory_space<hbm>> -> memref<26x128x16xf32, #tpu.memory_space<hbm>>
    %dma_wait3A_28 = arith.constant 0 : i32
    %dma_wait3A_29 = arith.constant 0 : i32
    %dma_wait3A_30 = arith.constant 0 : i32
    %dma_wait3A_31 = tpu.memref_slice %arg4[%add3A, %dma_wait3A_22, %dma_wait3A_28, %dma_wait3A_29, %dma_wait3A_30] : memref<32x4x26x128x16xf32, #tpu.memory_space<hbm>> -> memref<1x1x26x128x16xf32, #tpu.memory_space<hbm>>
    %dma_wait3A_32 = tpu.memref_squeeze %dma_wait3A_31 : memref<1x1x26x128x16xf32, #tpu.memory_space<hbm>> -> memref<26x128x16xf32, #tpu.memory_space<hbm>>
    tpu.wait_dma2 semaphore(%arg7 : memref<!tpu.dma_semaphore, #tpu.memory_space<semaphore_mem>>) src(%dma_wait3A_32 : memref<26x128x16xf32, #tpu.memory_space<hbm>>) dst(%arg6 : memref<26x128x16xf32, #tpu.memory_space<vmem>>)
    %run_scoped3A_33 = arith.constant 1 : i32
    "tpu.region"() ({
      %run_scoped3A_70 = tpu.sem_alloc : memref<!tpu.dma_semaphore, #tpu.memory_space<semaphore_mem>>
      %dma_start3A = arith.constant 0 : i32
      %dma_start3A_71 = arith.constant 0 : i32
      %dma_start3A_72 = arith.constant 0 : i32
      %dma_start3A_73 = tpu.memref_slice %arg4[%add3A, %run_scoped3A_33, %dma_start3A, %dma_start3A_71, %dma_start3A_72] : memref<32x4x26x128x16xf32, #tpu.memory_space<hbm>> -> memref<1x1x26x128x16xf32, #tpu.memory_space<hbm>>
      %dma_start3A_74 = tpu.memref_squeeze %dma_start3A_73 : memref<1x1x26x128x16xf32, #tpu.memory_space<hbm>> -> memref<26x128x16xf32, #tpu.memory_space<hbm>>
      %dma_start3A_75 = arith.constant 0 : i32
      %dma_start3A_76 = arith.constant 0 : i32
      %dma_start3A_77 = arith.constant 0 : i32
      %dma_start3A_78 = tpu.memref_slice %arg4[%add3A, %run_scoped3A_33, %dma_start3A_75, %dma_start3A_76, %dma_start3A_77] : memref<32x4x26x128x16xf32, #tpu.memory_space<hbm>> -> memref<1x1x26x128x16xf32, #tpu.memory_space<hbm>>
      %dma_start3A_79 = tpu.memref_squeeze %dma_start3A_78 : memref<1x1x26x128x16xf32, #tpu.memory_space<hbm>> -> memref<26x128x16xf32, #tpu.memory_space<hbm>>
      tpu.enqueue_dma source(%arg6 : memref<26x128x16xf32, #tpu.memory_space<vmem>>) target(%dma_start3A_79 : memref<26x128x16xf32, #tpu.memory_space<hbm>>) target_semaphore(%run_scoped3A_70 : memref<!tpu.dma_semaphore, #tpu.memory_space<semaphore_mem>>)
      %dma_wait3A_80 = arith.constant 0 : i32
      %dma_wait3A_81 = arith.constant 0 : i32
      %dma_wait3A_82 = arith.constant 0 : i32
      %dma_wait3A_83 = tpu.memref_slice %arg4[%add3A, %run_scoped3A_33, %dma_wait3A_80, %dma_wait3A_81, %dma_wait3A_82] : memref<32x4x26x128x16xf32, #tpu.memory_space<hbm>> -> memref<1x1x26x128x16xf32, #tpu.memory_space<hbm>>
      %dma_wait3A_84 = tpu.memref_squeeze %dma_wait3A_83 : memref<1x1x26x128x16xf32, #tpu.memory_space<hbm>> -> memref<26x128x16xf32, #tpu.memory_space<hbm>>
      %dma_wait3A_85 = arith.constant 0 : i32
      %dma_wait3A_86 = arith.constant 0 : i32
      %dma_wait3A_87 = arith.constant 0 : i32
      %dma_wait3A_88 = tpu.memref_slice %arg4[%add3A, %run_scoped3A_33, %dma_wait3A_85, %dma_wait3A_86, %dma_wait3A_87] : memref<32x4x26x128x16xf32, #tpu.memory_space<hbm>> -> memref<1x1x26x128x16xf32, #tpu.memory_space<hbm>>
      %dma_wait3A_89 = tpu.memref_squeeze %dma_wait3A_88 : memref<1x1x26x128x16xf32, #tpu.memory_space<hbm>> -> memref<26x128x16xf32, #tpu.memory_space<hbm>>
      tpu.wait_dma2 semaphore(%run_scoped3A_70 : memref<!tpu.dma_semaphore, #tpu.memory_space<semaphore_mem>>) src(%arg6 : memref<26x128x16xf32, #tpu.memory_space<vmem>>) dst(%dma_wait3A_89 : memref<26x128x16xf32, #tpu.memory_space<hbm>>)
      tpu.yield
    }) : () -> ()
    %run_scoped3A_34 = arith.constant 2 : i32
    "tpu.region"() ({
      %run_scoped3A_70 = tpu.sem_alloc : memref<!tpu.dma_semaphore, #tpu.memory_space<semaphore_mem>>
      %dma_start3A = arith.constant 0 : i32
      %dma_start3A_71 = arith.constant 0 : i32
      %dma_start3A_72 = tpu.memref_slice %arg2[%add3A, %run_scoped3A_34, %dma_start3A, %dma_start3A_71] : memref<32x4x26x128xi32, #tpu.memory_space<hbm>> -> memref<1x1x26x128xi32, #tpu.memory_space<hbm>>
      %dma_start3A_73 = tpu.memref_squeeze %dma_start3A_72 : memref<1x1x26x128xi32, #tpu.memory_space<hbm>> -> memref<26x128xi32, #tpu.memory_space<hbm>>
      %dma_start3A_74 = arith.constant 0 : i32
      %dma_start3A_75 = arith.constant 0 : i32
      %dma_start3A_76 = tpu.memref_slice %arg2[%add3A, %run_scoped3A_34, %dma_start3A_74, %dma_start3A_75] : memref<32x4x26x128xi32, #tpu.memory_space<hbm>> -> memref<1x1x26x128xi32, #tpu.memory_space<hbm>>
      %dma_start3A_77 = tpu.memref_squeeze %dma_start3A_76 : memref<1x1x26x128xi32, #tpu.memory_space<hbm>> -> memref<26x128xi32, #tpu.memory_space<hbm>>
      tpu.enqueue_dma source(%dma_start3A_77 : memref<26x128xi32, #tpu.memory_space<hbm>>) target(%arg5 : memref<26x128xi32, #tpu.memory_space<vmem>>) target_semaphore(%run_scoped3A_70 : memref<!tpu.dma_semaphore, #tpu.memory_space<semaphore_mem>>)
      %dma_wait3A_78 = arith.constant 0 : i32
      %dma_wait3A_79 = arith.constant 0 : i32
      %dma_wait3A_80 = tpu.memref_slice %arg2[%add3A, %run_scoped3A_34, %dma_wait3A_78, %dma_wait3A_79] : memref<32x4x26x128xi32, #tpu.memory_space<hbm>> -> memref<1x1x26x128xi32, #tpu.memory_space<hbm>>
      %dma_wait3A_81 = tpu.memref_squeeze %dma_wait3A_80 : memref<1x1x26x128xi32, #tpu.memory_space<hbm>> -> memref<26x128xi32, #tpu.memory_space<hbm>>
      %dma_wait3A_82 = arith.constant 0 : i32
      %dma_wait3A_83 = arith.constant 0 : i32
      %dma_wait3A_84 = tpu.memref_slice %arg2[%add3A, %run_scoped3A_34, %dma_wait3A_82, %dma_wait3A_83] : memref<32x4x26x128xi32, #tpu.memory_space<hbm>> -> memref<1x1x26x128xi32, #tpu.memory_space<hbm>>
      %dma_wait3A_85 = tpu.memref_squeeze %dma_wait3A_84 : memref<1x1x26x128xi32, #tpu.memory_space<hbm>> -> memref<26x128xi32, #tpu.memory_space<hbm>>
      tpu.wait_dma2 semaphore(%run_scoped3A_70 : memref<!tpu.dma_semaphore, #tpu.memory_space<semaphore_mem>>) src(%dma_wait3A_85 : memref<26x128xi32, #tpu.memory_space<hbm>>) dst(%arg5 : memref<26x128xi32, #tpu.memory_space<vmem>>)
      tpu.yield
    }) : () -> ()
    %scan3A_35 = arith.constant 0 : i32
    %scan3A_36 = arith.constant 26 : i32
    %scan3A_37 = arith.addi %scan3A_35, %scan3A_36 : i32
    %scan3A_38 = arith.constant 1 : i32
    scf.for %scan3A_70 = %scan3A_35 to %scan3A_37 step %scan3A_38  : i32 {
      %dma_start3A = arith.constant 0 : i32
      %dma_start3A_71 = arith.constant 0 : i32
      %dma_start3A_72 = tpu.memref_slice %arg6[%scan3A_70, %dma_start3A, %dma_start3A_71] : memref<26x128x16xf32, #tpu.memory_space<vmem>> -> memref<1x128x16xf32, #tpu.memory_space<vmem>>
      %dma_start3A_73 = tpu.memref_squeeze %dma_start3A_72 : memref<1x128x16xf32, #tpu.memory_space<vmem>> -> memref<128x16xf32, #tpu.memory_space<vmem>>
      %dma_start3A_74 = arith.constant 0 : i32
      %dma_start3A_75 = tpu.memref_slice %arg5[%scan3A_70, %dma_start3A_74] : memref<26x128xi32, #tpu.memory_space<vmem>> -> memref<1x128xi32, #tpu.memory_space<vmem>>
      %dma_start3A_76 = tpu.memref_squeeze %dma_start3A_75 : memref<1x128xi32, #tpu.memory_space<vmem>> -> memref<128xi32, #tpu.memory_space<vmem>>
      %dma_start3A_77 = arith.constant 0 : i32
      %dma_start3A_78 = arith.constant 0 : i32
      %dma_start3A_79 = tpu.memref_slice %arg3[%dma_start3A_77, %dma_start3A_78] : memref<2605056x16xf32, #tpu.memory_space<hbm>> -> memref<2605056x16xf32, #tpu.memory_space<hbm>>
      tpu.enqueue_indirect_dma source(%dma_start3A_79 : memref<2605056x16xf32, #tpu.memory_space<hbm>>) target(%dma_start3A_73 : memref<128x16xf32, #tpu.memory_space<vmem>>) offsets(%dma_start3A_76 : memref<128xi32, #tpu.memory_space<vmem>>) semaphore(%arg7 : memref<!tpu.dma_semaphore, #tpu.memory_space<semaphore_mem>>)
    }
    %scan3A_39 = arith.constant 26 : i32
    %dma_wait3A_40 = arith.constant 2 : i32
    %dma_wait3A_41 = arith.constant 0 : i32
    %dma_wait3A_42 = arith.constant 0 : i32
    %dma_wait3A_43 = arith.constant 0 : i32
    %dma_wait3A_44 = tpu.memref_slice %arg4[%add3A, %dma_wait3A_40, %dma_wait3A_41, %dma_wait3A_42, %dma_wait3A_43] : memref<32x4x26x128x16xf32, #tpu.memory_space<hbm>> -> memref<1x1x26x128x16xf32, #tpu.memory_space<hbm>>
    %dma_wait3A_45 = tpu.memref_squeeze %dma_wait3A_44 : memref<1x1x26x128x16xf32, #tpu.memory_space<hbm>> -> memref<26x128x16xf32, #tpu.memory_space<hbm>>
    %dma_wait3A_46 = arith.constant 0 : i32
    %dma_wait3A_47 = arith.constant 0 : i32
    %dma_wait3A_48 = arith.constant 0 : i32
    %dma_wait3A_49 = tpu.memref_slice %arg4[%add3A, %dma_wait3A_40, %dma_wait3A_46, %dma_wait3A_47, %dma_wait3A_48] : memref<32x4x26x128x16xf32, #tpu.memory_space<hbm>> -> memref<1x1x26x128x16xf32, #tpu.memory_space<hbm>>
    %dma_wait3A_50 = tpu.memref_squeeze %dma_wait3A_49 : memref<1x1x26x128x16xf32, #tpu.memory_space<hbm>> -> memref<26x128x16xf32, #tpu.memory_space<hbm>>
    tpu.wait_dma2 semaphore(%arg7 : memref<!tpu.dma_semaphore, #tpu.memory_space<semaphore_mem>>) src(%dma_wait3A_50 : memref<26x128x16xf32, #tpu.memory_space<hbm>>) dst(%arg6 : memref<26x128x16xf32, #tpu.memory_space<vmem>>)
    %run_scoped3A_51 = arith.constant 2 : i32
    "tpu.region"() ({
      %run_scoped3A_70 = tpu.sem_alloc : memref<!tpu.dma_semaphore, #tpu.memory_space<semaphore_mem>>
      %dma_start3A = arith.constant 0 : i32
      %dma_start3A_71 = arith.constant 0 : i32
      %dma_start3A_72 = arith.constant 0 : i32
      %dma_start3A_73 = tpu.memref_slice %arg4[%add3A, %run_scoped3A_51, %dma_start3A, %dma_start3A_71, %dma_start3A_72] : memref<32x4x26x128x16xf32, #tpu.memory_space<hbm>> -> memref<1x1x26x128x16xf32, #tpu.memory_space<hbm>>
      %dma_start3A_74 = tpu.memref_squeeze %dma_start3A_73 : memref<1x1x26x128x16xf32, #tpu.memory_space<hbm>> -> memref<26x128x16xf32, #tpu.memory_space<hbm>>
      %dma_start3A_75 = arith.constant 0 : i32
      %dma_start3A_76 = arith.constant 0 : i32
      %dma_start3A_77 = arith.constant 0 : i32
      %dma_start3A_78 = tpu.memref_slice %arg4[%add3A, %run_scoped3A_51, %dma_start3A_75, %dma_start3A_76, %dma_start3A_77] : memref<32x4x26x128x16xf32, #tpu.memory_space<hbm>> -> memref<1x1x26x128x16xf32, #tpu.memory_space<hbm>>
      %dma_start3A_79 = tpu.memref_squeeze %dma_start3A_78 : memref<1x1x26x128x16xf32, #tpu.memory_space<hbm>> -> memref<26x128x16xf32, #tpu.memory_space<hbm>>
      tpu.enqueue_dma source(%arg6 : memref<26x128x16xf32, #tpu.memory_space<vmem>>) target(%dma_start3A_79 : memref<26x128x16xf32, #tpu.memory_space<hbm>>) target_semaphore(%run_scoped3A_70 : memref<!tpu.dma_semaphore, #tpu.memory_space<semaphore_mem>>)
      %dma_wait3A_80 = arith.constant 0 : i32
      %dma_wait3A_81 = arith.constant 0 : i32
      %dma_wait3A_82 = arith.constant 0 : i32
      %dma_wait3A_83 = tpu.memref_slice %arg4[%add3A, %run_scoped3A_51, %dma_wait3A_80, %dma_wait3A_81, %dma_wait3A_82] : memref<32x4x26x128x16xf32, #tpu.memory_space<hbm>> -> memref<1x1x26x128x16xf32, #tpu.memory_space<hbm>>
      %dma_wait3A_84 = tpu.memref_squeeze %dma_wait3A_83 : memref<1x1x26x128x16xf32, #tpu.memory_space<hbm>> -> memref<26x128x16xf32, #tpu.memory_space<hbm>>
      %dma_wait3A_85 = arith.constant 0 : i32
      %dma_wait3A_86 = arith.constant 0 : i32
      %dma_wait3A_87 = arith.constant 0 : i32
      %dma_wait3A_88 = tpu.memref_slice %arg4[%add3A, %run_scoped3A_51, %dma_wait3A_85, %dma_wait3A_86, %dma_wait3A_87] : memref<32x4x26x128x16xf32, #tpu.memory_space<hbm>> -> memref<1x1x26x128x16xf32, #tpu.memory_space<hbm>>
      %dma_wait3A_89 = tpu.memref_squeeze %dma_wait3A_88 : memref<1x1x26x128x16xf32, #tpu.memory_space<hbm>> -> memref<26x128x16xf32, #tpu.memory_space<hbm>>
      tpu.wait_dma2 semaphore(%run_scoped3A_70 : memref<!tpu.dma_semaphore, #tpu.memory_space<semaphore_mem>>) src(%arg6 : memref<26x128x16xf32, #tpu.memory_space<vmem>>) dst(%dma_wait3A_89 : memref<26x128x16xf32, #tpu.memory_space<hbm>>)
      tpu.yield
    }) : () -> ()
    %run_scoped3A_52 = arith.constant 3 : i32
    "tpu.region"() ({
      %run_scoped3A_70 = tpu.sem_alloc : memref<!tpu.dma_semaphore, #tpu.memory_space<semaphore_mem>>
      %dma_start3A = arith.constant 0 : i32
      %dma_start3A_71 = arith.constant 0 : i32
      %dma_start3A_72 = tpu.memref_slice %arg2[%add3A, %run_scoped3A_52, %dma_start3A, %dma_start3A_71] : memref<32x4x26x128xi32, #tpu.memory_space<hbm>> -> memref<1x1x26x128xi32, #tpu.memory_space<hbm>>
      %dma_start3A_73 = tpu.memref_squeeze %dma_start3A_72 : memref<1x1x26x128xi32, #tpu.memory_space<hbm>> -> memref<26x128xi32, #tpu.memory_space<hbm>>
      %dma_start3A_74 = arith.constant 0 : i32
      %dma_start3A_75 = arith.constant 0 : i32
      %dma_start3A_76 = tpu.memref_slice %arg2[%add3A, %run_scoped3A_52, %dma_start3A_74, %dma_start3A_75] : memref<32x4x26x128xi32, #tpu.memory_space<hbm>> -> memref<1x1x26x128xi32, #tpu.memory_space<hbm>>
      %dma_start3A_77 = tpu.memref_squeeze %dma_start3A_76 : memref<1x1x26x128xi32, #tpu.memory_space<hbm>> -> memref<26x128xi32, #tpu.memory_space<hbm>>
      tpu.enqueue_dma source(%dma_start3A_77 : memref<26x128xi32, #tpu.memory_space<hbm>>) target(%arg5 : memref<26x128xi32, #tpu.memory_space<vmem>>) target_semaphore(%run_scoped3A_70 : memref<!tpu.dma_semaphore, #tpu.memory_space<semaphore_mem>>)
      %dma_wait3A_78 = arith.constant 0 : i32
      %dma_wait3A_79 = arith.constant 0 : i32
      %dma_wait3A_80 = tpu.memref_slice %arg2[%add3A, %run_scoped3A_52, %dma_wait3A_78, %dma_wait3A_79] : memref<32x4x26x128xi32, #tpu.memory_space<hbm>> -> memref<1x1x26x128xi32, #tpu.memory_space<hbm>>
      %dma_wait3A_81 = tpu.memref_squeeze %dma_wait3A_80 : memref<1x1x26x128xi32, #tpu.memory_space<hbm>> -> memref<26x128xi32, #tpu.memory_space<hbm>>
      %dma_wait3A_82 = arith.constant 0 : i32
      %dma_wait3A_83 = arith.constant 0 : i32
      %dma_wait3A_84 = tpu.memref_slice %arg2[%add3A, %run_scoped3A_52, %dma_wait3A_82, %dma_wait3A_83] : memref<32x4x26x128xi32, #tpu.memory_space<hbm>> -> memref<1x1x26x128xi32, #tpu.memory_space<hbm>>
      %dma_wait3A_85 = tpu.memref_squeeze %dma_wait3A_84 : memref<1x1x26x128xi32, #tpu.memory_space<hbm>> -> memref<26x128xi32, #tpu.memory_space<hbm>>
      tpu.wait_dma2 semaphore(%run_scoped3A_70 : memref<!tpu.dma_semaphore, #tpu.memory_space<semaphore_mem>>) src(%dma_wait3A_85 : memref<26x128xi32, #tpu.memory_space<hbm>>) dst(%arg5 : memref<26x128xi32, #tpu.memory_space<vmem>>)
      tpu.yield
    }) : () -> ()
    %scan3A_53 = arith.constant 0 : i32
    %scan3A_54 = arith.constant 26 : i32
    %scan3A_55 = arith.addi %scan3A_53, %scan3A_54 : i32
    %scan3A_56 = arith.constant 1 : i32
    scf.for %scan3A_70 = %scan3A_53 to %scan3A_55 step %scan3A_56  : i32 {
      %dma_start3A = arith.constant 0 : i32
      %dma_start3A_71 = arith.constant 0 : i32
      %dma_start3A_72 = tpu.memref_slice %arg6[%scan3A_70, %dma_start3A, %dma_start3A_71] : memref<26x128x16xf32, #tpu.memory_space<vmem>> -> memref<1x128x16xf32, #tpu.memory_space<vmem>>
      %dma_start3A_73 = tpu.memref_squeeze %dma_start3A_72 : memref<1x128x16xf32, #tpu.memory_space<vmem>> -> memref<128x16xf32, #tpu.memory_space<vmem>>
      %dma_start3A_74 = arith.constant 0 : i32
      %dma_start3A_75 = tpu.memref_slice %arg5[%scan3A_70, %dma_start3A_74] : memref<26x128xi32, #tpu.memory_space<vmem>> -> memref<1x128xi32, #tpu.memory_space<vmem>>
      %dma_start3A_76 = tpu.memref_squeeze %dma_start3A_75 : memref<1x128xi32, #tpu.memory_space<vmem>> -> memref<128xi32, #tpu.memory_space<vmem>>
      %dma_start3A_77 = arith.constant 0 : i32
      %dma_start3A_78 = arith.constant 0 : i32
      %dma_start3A_79 = tpu.memref_slice %arg3[%dma_start3A_77, %dma_start3A_78] : memref<2605056x16xf32, #tpu.memory_space<hbm>> -> memref<2605056x16xf32, #tpu.memory_space<hbm>>
      tpu.enqueue_indirect_dma source(%dma_start3A_79 : memref<2605056x16xf32, #tpu.memory_space<hbm>>) target(%dma_start3A_73 : memref<128x16xf32, #tpu.memory_space<vmem>>) offsets(%dma_start3A_76 : memref<128xi32, #tpu.memory_space<vmem>>) semaphore(%arg7 : memref<!tpu.dma_semaphore, #tpu.memory_space<semaphore_mem>>)
    }
    %scan3A_57 = arith.constant 26 : i32
    %dma_wait3A_58 = arith.constant 3 : i32
    %dma_wait3A_59 = arith.constant 0 : i32
    %dma_wait3A_60 = arith.constant 0 : i32
    %dma_wait3A_61 = arith.constant 0 : i32
    %dma_wait3A_62 = tpu.memref_slice %arg4[%add3A, %dma_wait3A_58, %dma_wait3A_59, %dma_wait3A_60, %dma_wait3A_61] : memref<32x4x26x128x16xf32, #tpu.memory_space<hbm>> -> memref<1x1x26x128x16xf32, #tpu.memory_space<hbm>>
    %dma_wait3A_63 = tpu.memref_squeeze %dma_wait3A_62 : memref<1x1x26x128x16xf32, #tpu.memory_space<hbm>> -> memref<26x128x16xf32, #tpu.memory_space<hbm>>
    %dma_wait3A_64 = arith.constant 0 : i32
    %dma_wait3A_65 = arith.constant 0 : i32
    %dma_wait3A_66 = arith.constant 0 : i32
    %dma_wait3A_67 = tpu.memref_slice %arg4[%add3A, %dma_wait3A_58, %dma_wait3A_64, %dma_wait3A_65, %dma_wait3A_66] : memref<32x4x26x128x16xf32, #tpu.memory_space<hbm>> -> memref<1x1x26x128x16xf32, #tpu.memory_space<hbm>>
    %dma_wait3A_68 = tpu.memref_squeeze %dma_wait3A_67 : memref<1x1x26x128x16xf32, #tpu.memory_space<hbm>> -> memref<26x128x16xf32, #tpu.memory_space<hbm>>
    tpu.wait_dma2 semaphore(%arg7 : memref<!tpu.dma_semaphore, #tpu.memory_space<semaphore_mem>>) src(%dma_wait3A_68 : memref<26x128x16xf32, #tpu.memory_space<hbm>>) dst(%arg6 : memref<26x128x16xf32, #tpu.memory_space<vmem>>)
    %run_scoped3A_69 = arith.constant 3 : i32
    "tpu.region"() ({
      %run_scoped3A_70 = tpu.sem_alloc : memref<!tpu.dma_semaphore, #tpu.memory_space<semaphore_mem>>
      %dma_start3A = arith.constant 0 : i32
      %dma_start3A_71 = arith.constant 0 : i32
      %dma_start3A_72 = arith.constant 0 : i32
      %dma_start3A_73 = tpu.memref_slice %arg4[%add3A, %run_scoped3A_69, %dma_start3A, %dma_start3A_71, %dma_start3A_72] : memref<32x4x26x128x16xf32, #tpu.memory_space<hbm>> -> memref<1x1x26x128x16xf32, #tpu.memory_space<hbm>>
      %dma_start3A_74 = tpu.memref_squeeze %dma_start3A_73 : memref<1x1x26x128x16xf32, #tpu.memory_space<hbm>> -> memref<26x128x16xf32, #tpu.memory_space<hbm>>
      %dma_start3A_75 = arith.constant 0 : i32
      %dma_start3A_76 = arith.constant 0 : i32
      %dma_start3A_77 = arith.constant 0 : i32
      %dma_start3A_78 = tpu.memref_slice %arg4[%add3A, %run_scoped3A_69, %dma_start3A_75, %dma_start3A_76, %dma_start3A_77] : memref<32x4x26x128x16xf32, #tpu.memory_space<hbm>> -> memref<1x1x26x128x16xf32, #tpu.memory_space<hbm>>
      %dma_start3A_79 = tpu.memref_squeeze %dma_start3A_78 : memref<1x1x26x128x16xf32, #tpu.memory_space<hbm>> -> memref<26x128x16xf32, #tpu.memory_space<hbm>>
      tpu.enqueue_dma source(%arg6 : memref<26x128x16xf32, #tpu.memory_space<vmem>>) target(%dma_start3A_79 : memref<26x128x16xf32, #tpu.memory_space<hbm>>) target_semaphore(%run_scoped3A_70 : memref<!tpu.dma_semaphore, #tpu.memory_space<semaphore_mem>>)
      %dma_wait3A_80 = arith.constant 0 : i32
      %dma_wait3A_81 = arith.constant 0 : i32
      %dma_wait3A_82 = arith.constant 0 : i32
      %dma_wait3A_83 = tpu.memref_slice %arg4[%add3A, %run_scoped3A_69, %dma_wait3A_80, %dma_wait3A_81, %dma_wait3A_82] : memref<32x4x26x128x16xf32, #tpu.memory_space<hbm>> -> memref<1x1x26x128x16xf32, #tpu.memory_space<hbm>>
      %dma_wait3A_84 = tpu.memref_squeeze %dma_wait3A_83 : memref<1x1x26x128x16xf32, #tpu.memory_space<hbm>> -> memref<26x128x16xf32, #tpu.memory_space<hbm>>
      %dma_wait3A_85 = arith.constant 0 : i32
      %dma_wait3A_86 = arith.constant 0 : i32
      %dma_wait3A_87 = arith.constant 0 : i32
      %dma_wait3A_88 = tpu.memref_slice %arg4[%add3A, %run_scoped3A_69, %dma_wait3A_85, %dma_wait3A_86, %dma_wait3A_87] : memref<32x4x26x128x16xf32, #tpu.memory_space<hbm>> -> memref<1x1x26x128x16xf32, #tpu.memory_space<hbm>>
      %dma_wait3A_89 = tpu.memref_squeeze %dma_wait3A_88 : memref<1x1x26x128x16xf32, #tpu.memory_space<hbm>> -> memref<26x128x16xf32, #tpu.memory_space<hbm>>
      tpu.wait_dma2 semaphore(%run_scoped3A_70 : memref<!tpu.dma_semaphore, #tpu.memory_space<semaphore_mem>>) src(%arg6 : memref<26x128x16xf32, #tpu.memory_space<vmem>>) dst(%dma_wait3A_89 : memref<26x128x16xf32, #tpu.memory_space<hbm>>)
      tpu.yield
    }) : () -> ()
    return
  }
}

module attributes {stable_mosaic.version = 14 : i64} {
  func.func @_transpose_body(%arg0: i32, %arg1: memref<16x16384xf32, #tpu.memory_space<vmem>>, %arg2: memref<2048x128xf32, #tpu.memory_space<vmem>>) attributes {dimension_semantics = [#tpu.dimension_semantics<arbitrary>], iteration_bounds = array<i64: 159>, scalar_prefetch = 0 : i64, scratch_operands = 0 : i64, tpu.core_type = #tpu.core_type<tc>, window_params = [{transform_indices = @transform_0, window_bounds = array<i64: 16, 16384>}, {transform_indices = @transform_1, window_bounds = array<i64: 2048, 128>}]} {
    %get3A = arith.constant 0 : index
    %get3A_0 = arith.constant 0 : index
    %get3A_1 = vector.load %arg1[%get3A, %get3A_0] : memref<16x16384xf32, #tpu.memory_space<vmem>>, vector<16x16384xf32>
    %slice3A = vector.extract_strided_slice %get3A_1 {offsets = [0, 0], sizes = [16, 2048], strides = [1, 1]} : vector<16x16384xf32> to vector<16x2048xf32>
    %slice3A_2 = vector.extract_strided_slice %get3A_1 {offsets = [0, 2048], sizes = [16, 2048], strides = [1, 1]} : vector<16x16384xf32> to vector<16x2048xf32>
    %slice3A_3 = vector.extract_strided_slice %get3A_1 {offsets = [0, 4096], sizes = [16, 2048], strides = [1, 1]} : vector<16x16384xf32> to vector<16x2048xf32>
    %slice3A_4 = vector.extract_strided_slice %get3A_1 {offsets = [0, 6144], sizes = [16, 2048], strides = [1, 1]} : vector<16x16384xf32> to vector<16x2048xf32>
    %slice3A_5 = vector.extract_strided_slice %get3A_1 {offsets = [0, 8192], sizes = [16, 2048], strides = [1, 1]} : vector<16x16384xf32> to vector<16x2048xf32>
    %slice3A_6 = vector.extract_strided_slice %get3A_1 {offsets = [0, 10240], sizes = [16, 2048], strides = [1, 1]} : vector<16x16384xf32> to vector<16x2048xf32>
    %slice3A_7 = vector.extract_strided_slice %get3A_1 {offsets = [0, 12288], sizes = [16, 2048], strides = [1, 1]} : vector<16x16384xf32> to vector<16x2048xf32>
    %slice3A_8 = vector.extract_strided_slice %get3A_1 {offsets = [0, 14336], sizes = [16, 2048], strides = [1, 1]} : vector<16x16384xf32> to vector<16x2048xf32>
    %concatenate3A = tpu.concatenate %slice3A, %slice3A_2, %slice3A_3, %slice3A_4, %slice3A_5, %slice3A_6, %slice3A_7, %slice3A_8 in 0 : vector<16x2048xf32>, vector<16x2048xf32>, vector<16x2048xf32>, vector<16x2048xf32>, vector<16x2048xf32>, vector<16x2048xf32>, vector<16x2048xf32>, vector<16x2048xf32> -> vector<128x2048xf32>
    %iota3A = tpu.iota {dimensions = array<i32: 0>} : vector<128x128xi32>
    %iota3A_9 = tpu.iota {dimensions = array<i32: 1>} : vector<128x128xi32>
    %add3A = arith.constant 0 : i32
    %add3A_10 = vector.broadcast %add3A : i32 to vector<128x128xi32>
    %add3A_11 = arith.addi %iota3A, %add3A_10 : vector<128x128xi32>
    %eq3A = arith.cmpi eq, %add3A_11, %iota3A_9 : vector<128x128xi32>
    %convert_element_type3A = arith.extui %eq3A : vector<128x128xi1> to vector<128x128xi32>
    %convert_element_type3A_12 = arith.sitofp %convert_element_type3A : vector<128x128xi32> to vector<128x128xf32>
    %dot_general3A = arith.constant dense<0.000000e+00> : vector<2048x128xf32>
    %dot_general3A_13 = tpu.matmul %concatenate3A, %convert_element_type3A_12, %dot_general3A {dimension_numbers = #tpu.dot_dimension_numbers<[0], [0], [1], [1], [0, 1, 1, 1], [], []>, transpose_lhs_hint = false} : vector<128x2048xf32>, vector<128x128xf32>, vector<2048x128xf32> -> vector<2048x128xf32>
    %swap3A = arith.constant 0 : index
    %swap3A_14 = arith.constant 0 : index
    %swap3A_15 = vector.load %arg2[%swap3A, %swap3A_14] : memref<2048x128xf32, #tpu.memory_space<vmem>>, vector<2048x128xf32>
    tpu.vector_store %arg2[%swap3A, %swap3A_14], %dot_general3A_13 {strides = array<i32>} : memref<2048x128xf32, #tpu.memory_space<vmem>>, vector<2048x128xf32>,
    return
  }
  func.func @transform_0(%arg0: i32) -> (i32, i32) {
    %c0_i32 = arith.constant 0 : i32
    %c0_i32_0 = arith.constant 0 : i32
    return %c0_i32, %arg0 : i32, i32
  }
  func.func @transform_1(%arg0: i32) -> (i32, i32) {
    %c0_i32 = arith.constant 0 : i32
    %c0_i32_0 = arith.constant 0 : i32
    return %arg0, %c0_i32 : i32, i32
  }
}

module attributes {stable_mosaic.version = 14 : i64} {
  func.func @_epilogue_body(%arg0: i32, %arg1: memref<2048x416xf32, #tpu.memory_space<vmem>>, %arg2: memref<1x416xf32, #tpu.memory_space<vmem>>, %arg3: memref<26x16x2048xf32, #tpu.memory_space<vmem>>) attributes {dimension_semantics = [#tpu.dimension_semantics<arbitrary>], iteration_bounds = array<i64: 8>, scalar_prefetch = 0 : i64, scratch_operands = 0 : i64, tpu.core_type = #tpu.core_type<tc>, window_params = [{transform_indices = @transform_0, window_bounds = array<i64: 2048, 416>}, {pipeline_mode = #tpu.pipeline_mode<synchronous>, transform_indices = @transform_1, window_bounds = array<i64: 1, 416>}, {transform_indices = @transform_2, window_bounds = array<i64: 26, 16, 2048>}]} {
    %get3A = arith.constant 0 : index
    %get3A_0 = arith.constant 0 : index
    %get3A_1 = vector.load %arg1[%get3A, %get3A_0] : memref<2048x416xf32, #tpu.memory_space<vmem>>, vector<2048x416xf32>
    %get3A_2 = arith.constant 0 : index
    %get3A_3 = arith.constant 0 : index
    %get3A_4 = vector.load %arg2[%get3A_2, %get3A_3] : memref<1x416xf32, #tpu.memory_space<vmem>>, vector<1x416xf32>
    %add3A = vector.broadcast %get3A_4 : vector<1x416xf32> to vector<2048x416xf32>
    %add3A_5 = arith.addf %get3A_1, %add3A : vector<2048x416xf32>
    %iota3A = tpu.iota {dimensions = array<i32: 0>} : vector<416x416xi32>
    %iota3A_6 = tpu.iota {dimensions = array<i32: 1>} : vector<416x416xi32>
    %add3A_7 = arith.constant 0 : i32
    %add3A_8 = vector.broadcast %add3A_7 : i32 to vector<416x416xi32>
    %add3A_9 = arith.addi %iota3A, %add3A_8 : vector<416x416xi32>
    %eq3A = arith.cmpi eq, %add3A_9, %iota3A_6 : vector<416x416xi32>
    %convert_element_type3A = arith.extui %eq3A : vector<416x416xi1> to vector<416x416xi32>
    %convert_element_type3A_10 = arith.sitofp %convert_element_type3A : vector<416x416xi32> to vector<416x416xf32>
    %dot_general3A = arith.constant dense<0.000000e+00> : vector<416x2048xf32>
    %dot_general3A_11 = tpu.matmul %convert_element_type3A_10, %add3A_5, %dot_general3A {dimension_numbers = #tpu.dot_dimension_numbers<[0], [1], [1], [0], [0, 1, 1, 0], [], []>, transpose_lhs_hint = false} : vector<416x416xf32>, vector<2048x416xf32>, vector<416x2048xf32> -> vector<416x2048xf32>
    %reshape3A = vector.shape_cast %dot_general3A_11 : vector<416x2048xf32> to vector<26x16x2048xf32>
    %swap3A = arith.constant 0 : index
    %swap3A_12 = arith.constant 0 : index
    %swap3A_13 = arith.constant 0 : index
    %swap3A_14 = vector.load %arg3[%swap3A, %swap3A_12, %swap3A_13] : memref<26x16x2048xf32, #tpu.memory_space<vmem>>, vector<26x16x2048xf32>
    tpu.vector_store %arg3[%swap3A, %swap3A_12, %swap3A_13], %reshape3A {strides = array<i32>} : memref<26x16x2048xf32, #tpu.memory_space<vmem>>, vector<26x16x2048xf32>,
    return
  }
  func.func @transform_0(%arg0: i32) -> (i32, i32) {
    %c0_i32 = arith.constant 0 : i32
    %c0_i32_0 = arith.constant 0 : i32
    return %arg0, %c0_i32 : i32, i32
  }
  func.func @transform_1(%arg0: i32) -> (i32, i32) {
    %c0_i32 = arith.constant 0 : i32
    %c0_i32_0 = arith.constant 0 : i32
    %c0_i32_1 = arith.constant 0 : i32
    return %c0_i32, %c0_i32_0 : i32, i32
  }
  func.func @transform_2(%arg0: i32) -> (i32, i32, i32) {
    %c0_i32 = arith.constant 0 : i32
    %c0_i32_0 = arith.constant 0 : i32
    %c0_i32_1 = arith.constant 0 : i32
    return %c0_i32, %c0_i32_0, %arg0 : i32, i32, i32
  }
}

</mosaic_0001>

<sc_bundles>
// kernel: _tokenizer.5.cloned.1.call-start
scs
__scs_entry_jumppad:
0x0: {  	(pc) =	sbr.rel $0x88, $3  }
0x1: {  	(tag) =	ssettag $0x0;
	lr =	simm.s32 $0x1  }
0x2: {  	[smem:$0x3F9D] =	sst lr;
	_ =	strace $0xD0000000  }
0x3: {  	_ = 	snop  }
0x4: {  	_ = 	snop  }
0x5: {  	_ = 	snop  }
0x6: {  	_ = 	snop  }
0x7: {  	_ = 	snop  }
__scs_overlays_trampoline_lowered:
0x8: {  	[smem:$0x3FAC] =	sst s0  }
0x9: {  	[smem:$0x3FAD] =	sst s1  }
0xa: {  	[smem:$0x3FAE] =	sst s2  }
0xb: {  	[smem:$0x3FAF] =	sst s3  }
0xc: {  	[smem:$0x3FB0] =	sst s4  }
0xd: {  	[smem:$0x3FB1] =	sst s5  }
0xe: {  	[smem:$0x3FB2] =	sst s6  }
0xf: {  	[smem:$0x3FB3] =	sst s7  }
0x10: {  	[smem:$0x3FB4] =	sst s8  }
0x11: {  	[smem:$0x3FB5] =	sst s9;
	s0 =	simm.s32 @!p0 $0x0  }
0x12: {  	s1 =	sld [smem:$0x3F9B];
	s0 =	simm.s32 @p0 $0x1  }
0x13: {  	[smem:$0x3FB6] =	sst s0;
	s0 =	simm.s32 @!p1 $0x0  }
0x14: {  	s2 =	sld [smem:$0x3F9A];
	s0 =	simm.s32 @p1 $0x1  }
0x15: {  	[smem:$0x3FB7] =	sst s0;
	s0 =	simm.s32 @!p2 $0x0  }
0x16: {  	s3 =	sld [smem:$0x3FDB];
	s0 =	simm.s32 @p2 $0x1  }
0x17: {  	s4 =	simm.s32 $0x1BF5;
	[smem:$0x3FB9] =	sst s0  }
0x18: {  	s0 =	sld [smem:$0x3F9C];
	_ =	swait.ge [sflag:s4], $0x0  }
0x19: {  	s7 =	sld [smem:$0x3F9D]  }
0x1a: {  	s8 =	sadd.s32 $0xFFFFE003, lr  }
0x1b: {  	s9 =	sadd.s32 $0xFFFFFEF7, lr;
	s5 =	simm.s32 $0xFFFFFFFF;
	p2 =	slt.u32 s8, $0xFFFFF086  }
0x1c: {  	p1 =	slt.u32 s9, $0xF7A;
	s5 =	simm.s32 @!p2 $0x0  }
0x1d: {  	s5 =	simm.s32 @p1 $0x1;
	p0 =	seq.s32 s7, s2  }
0x1e: {  	s7 =	smul.u32 @!p0 $0xF7A, s2;
	p2 =	seq.s32 @!p0 s5, $0x0  }
0x1f: {  	s9 =	smul.u32 $0xF7A, s1;
	s8 =	simm.s32 @!p0 $0x1BF5;
	p2 =	por !p2, p0  }
0x20: {  	[sflag:s8] =	ssyncset.s32 @!p0 $0xFFFFF086;
	s6 =	sadd.s32 @!p0 s3, s7;
	s7 =	simm.s32 @!p0 $0x108  }
0x21: {  	s3 =	sadd.s32 s3, s9;
	s6 =	sadd.s32 @!p0 $0x88, s6;
	s7 =	simm.s32 @p2 $0x1082  }
0x22: {  	[simem:s7], [sflag:s8] =	dma.local @!p0 [hbm:s6], $0xF7A  }
0x23: {  	s9 =	sor.u32 $0xD0000000, s2;
	s6 =	simm.s32 $0x108;
	_ =	swait.ge @!p0 [sflag:s8], $0x0  }
0x24: {  	s3 =	sadd.s32 $0x88, s3;
	s6 =	simm.s32 @!p1 $0x1082;
	[sflag:s4] =	ssyncset.s32 $0xFFFFF086  }
0x25: {  	[simem:s6], [sflag:s4] =	dma.local [hbm:s3], $0xF7A  }
0x26: {  	[smem:$0x3F9D] =	sst s1;
	(tag) =	ssettag s2;
	_ =	strace s9  }
0x27: {  	s1 =	sld [smem:$0x3FAD]  }
0x28: {  	s2 =	sld [smem:$0x3FAE]  }
0x29: {  	s4 =	sld [smem:$0x3FB0]  }
0x2a: {  	p0 =	seq.s32 s5, $0x0;
	s5 =	sld [smem:$0x3FB1]  }
0x2b: {  	s6 =	sld [smem:$0x3FB2]  }
0x2c: {  	s7 =	sld [smem:$0x3FB3]  }
0x2d: {  	s3 =	simm.s32 $0x108;
	s8 =	sld [smem:$0x3FB4]  }
0x2e: {  	s3 =	simm.s32 @!p0 $0x1082;
	s9 =	sld [smem:$0x3FB5]  }
0x2f: {  	lr =	sadd.s32 s0, s3;
	s0 =	sld [smem:$0x3FAC]  }
0x30: {  	s3 =	sld [smem:$0x3FAF]  }
0x31: {  	[smem:$0x3FB8] =	sst s10  }
0x32: {  	s10 =	sld [smem:$0x3FB6];
	_ =	sdelay $0x3  }
0x33: {  	p0 =	seq.s32 s10, $0x1;
	s10 =	sld [smem:$0x3FB8];
	_ =	sdelay $0x3  }
0x34: {  	[smem:$0x3FB8] =	sst s10  }
0x35: {  	s10 =	sld [smem:$0x3FB7];
	_ =	sdelay $0x3  }
0x36: {  	p1 =	seq.s32 s10, $0x1;
	s10 =	sld [smem:$0x3FB8];
	_ =	sdelay $0x3  }
0x37: {  	[smem:$0x3FB8] =	sst s10  }
0x38: {  	s10 =	sld [smem:$0x3FB9]  }
0x39: {  	_ = 	snop;
	(pc) =	sbr.ind lr, $3  }
0x3a: {  	_ = 	snop  }
0x3b: {  	_ = 	snop  }
0x3c: {  	p2 =	seq.s32 s10, $0x1;
	s10 =	sld [smem:$0x3FB8]  }
0x3d: {  	_ =	shalt  }
0x3e: {  	_ =	shalt  }
0x3f: {  	_ =	shalt  }
0x40: {  	_ =	shalt  }
0x41: {  	_ =	shalt  }
0x42: {  	_ =	shalt  }
0x43: {  	_ =	shalt  }
0x44: {  	_ =	shalt  }
0x45: {  	_ =	shalt  }
0x46: {  	_ =	shalt  }
0x47: {  	_ =	shalt  }
0x48: {  	_ =	shalt  }
0x49: {  	_ =	shalt  }
0x4a: {  	_ =	shalt  }
0x4b: {  	_ =	shalt  }
0x4c: {  	_ =	shalt  }
0x4d: {  	_ =	shalt  }
0x4e: {  	_ =	shalt  }
0x4f: {  	_ =	shalt  }
0x50: {  	_ =	shalt  }
0x51: {  	_ =	shalt  }
0x52: {  	_ =	shalt  }
0x53: {  	_ =	shalt  }
0x54: {  	_ =	shalt  }
0x55: {  	_ =	shalt  }
0x56: {  	_ =	shalt  }
0x57: {  	_ =	shalt  }
0x58: {  	_ =	shalt  }
0x59: {  	_ =	shalt  }
0x5a: {  	_ =	shalt  }
0x5b: {  	_ =	shalt  }
0x5c: {  	_ =	shalt  }
0x5d: {  	_ =	shalt  }
0x5e: {  	_ =	shalt  }
0x5f: {  	_ =	shalt  }
0x60: {  	_ =	shalt  }
0x61: {  	_ =	shalt  }
0x62: {  	_ =	shalt  }
0x63: {  	_ =	shalt  }
0x64: {  	_ =	shalt  }
0x65: {  	_ =	shalt  }
0x66: {  	_ =	shalt  }
0x67: {  	_ =	shalt  }
0x68: {  	_ =	shalt  }
0x69: {  	_ =	shalt  }
0x6a: {  	_ =	shalt  }
0x6b: {  	_ =	shalt  }
0x6c: {  	_ =	shalt  }
0x6d: {  	_ =	shalt  }
0x6e: {  	_ =	shalt  }
0x6f: {  	_ =	shalt  }
0x70: {  	_ =	shalt  }
0x71: {  	_ =	shalt  }
0x72: {  	_ =	shalt  }
0x73: {  	_ =	shalt  }
0x74: {  	_ =	shalt  }
0x75: {  	_ =	shalt  }
0x76: {  	_ =	shalt  }
0x77: {  	_ =	shalt  }
0x78: {  	_ =	shalt  }
0x79: {  	_ =	shalt  }
0x7a: {  	_ =	shalt  }
0x7b: {  	_ =	shalt  }
0x7c: {  	_ =	shalt  }
0x7d: {  	_ =	shalt  }
0x7e: {  	_ =	shalt  }
0x7f: {  	_ =	shalt  }
0x80: {  	_ =	shalt  }
0x81: {  	_ =	shalt  }
0x82: {  	_ =	shalt  }
0x83: {  	_ =	shalt  }
0x84: {  	_ =	shalt  }
0x85: {  	_ =	shalt  }
0x86: {  	_ =	shalt  }
0x87: {  	_ =	shalt  }
.Lfunc_end0:
.L_simem_size_0:
called_computation_lowered:
.L_overlay_start_0:
0x88: {  	s2 =	sld [smem:$0x3FD9]  }
0x89: {  	s3 =	sld [smem:$0x3FFE];
	_ =	sdelay $0x1  }
0x8a: {  	s1 =	srdreg.scid  }
0x8b: {  	s0 =	sand.u32 $0x1, s1  }
0x8c: {  	s17 =	sshll.u32 s0, $0xA;
	s2 =	sadd.s32 s3, s2  }
0x8d: {  	s2 =	sadd.s32 s2, s17  }
0x8e: {  	[smem:$0x3FC4] =	sst s2  }
0x8f: {  	_ = 	snop  }
0x90: {  	s2 =	sld [smem:$0x3FD0];
	(tm) =	ssettm $0x1  }
0x91: {  	s18 =	sld [smem:$0x3FFB];
	_ =	sdelay $0x3  }
0x92: {  	_ =	strace s18  }
0x93: {  	s3 =	sld [smem:$0x3FFC];
	_ =	sdelay $0x3  }
0x94: {  	_ =	strace s3  }
0x95: {  	s3 =	sld [smem:$0x3FFD];
	_ =	sdelay $0x3  }
0x96: {  	_ =	strace s3  }
0x97: {  	_ =	strace $0x8FFFFFFF  }
0x98: {  	s19 =	sld [smem:$0x3FDB];
	_ =	sdelay $0x1  }
0x99: {  	s4 =	simm.s32 $_scs_section_size  }
0x9a: {  	s5 =	simm.s32 $_size__tile_overlayer_lowered;
	s6 =	simm.s32 $_tile_overlayer_lowered  }
0x9b: {  	s22 =	simm.s32 $0x1BFF;
	s21 =	sshll.u32 s6, $0x1;
	s3 =	sadd.s32 s4, s19  }
0x9c: {  	s7 =	simm.s32 $0x0;
	s20 =	sshll.u32 s5, $0x1;
	s5 =	sadd.s32 s21, s3  }
0x9d: {  	[timem:s7], [sflag:s22] =	dma.local [hbm:s5], s20  }
0x9e: {  	_ =	swait.ge [sflag:s22], s20  }
0x9f: {  	s4 =	ssub.s32 $0x0, s20;
	[sflag:s22] =	ssyncset.done $0x0  }
0xa0: {  	[sflag:s22] =	ssyncadd.s32 s4;
	_ =	sdelay $0x1  }
0xa1: {  	s23 =	simm.s32 $0x1B8B  }
0xa2: {  	_ =	swait.ge [sflag:s23], $0x1  }
0xa3: {  	[sflag:s23] =	ssyncset.done $0x0  }
0xa4: {  	s25 =	simm.s32 $0x1B8E;
	s24 =	sld [smem:$0x3FFE];
	[sflag:s23] =	ssyncadd.s32 $0xFFFFFFFF  }
0xa5: {  	s26 =	simm.s32 $execute0_lowered;
	[smem:$0x3FD2] =	sst s25  }
0xa6: {  	s5 =	sshll.u32 s26, $0x1;
	_ =	strace $0x80000046;
	[dreg:$0x1] =	wrdreg $0xFFFFFFFF  }
0xa7: {  	s28 =	simm.s32 $_size_execute0_lowered;
	s3 =	sadd.s32 s3, s5;
	[dreg:$0x0] =	wrdreg $0x0  }
0xa8: {  	s5 =	sshll.u32 s28, $0x1;
	[dreg:$0x2] =	wrdreg s3  }
0xa9: {  	[dreg:$0x3] =	wrdreg s5  }
0xaa: {  	[dreg:$0x4] =	wrdreg $0xC0  }
0xab: {  	_ =	task [dreg:s7], $0x5FFFF  }
0xac: {  	[dreg:$0x1] =	wrdreg $0xFFFFFFFF  }
0xad: {  	[dreg:$0x0] =	wrdreg $0x60  }
0xae: {  	[dreg:$0x2] =	wrdreg s24  }
0xaf: {  	[dreg:$0x3] =	wrdreg s2  }
0xb0: {  	[dreg:$0x4] =	wrdreg $0x9  }
0xb1: {  	_ =	task.clear_ibuf [dreg:s7], $0x5FFFF;
	_ =	strace $0x90000046  }
0xb2: {  	s29 =	simm.s32 $0x9;
	_ =	strace $0x80000048  }
0xb3: {  	_ =	swait.ge [sflag:s29], $0x1  }
0xb4: {  	[sflag:s29] =	ssyncadd.s32 $0xFFFFFFFF  }
0xb5: {  	_ =	strace $0x90000048  }
0xb6: {  	_ =	sfence  }
0xb7: {  	s30 =	sld [smem:$0x0];
	_ =	sdelay $0x2  }
0xb8: {  	s31 =	sshll.u32 s1, $0xD;
	s1 =	sshrl.u32 s1, $0x2  }
0xb9: {  	s3 =	sand.u32 $0x4000, s31;
	s1 =	sadd.s32 s1, s30  }
0xba: {  	s0 =	sor.u32 s3, s0;
	s1 =	sshll.u32 s1, $0x11  }
0xbb: {  	s0 =	sor.u32 s1, s0  }
0xbc: {  	s0 =	sadd.s32 $0x8F2B, s0  }
0xbd: {  	[sflag:s0] =	ssyncadd.remote.s32 $0x1  }
0xbe: {  	_ =	sfence.sel $0xFFFF  }
0xbf: {  	[dreg:$0x0] =	wrdreg $0xFFFFFFFF;
	(pc) =	sbr.abs _section_cstart, $3  }
0xc0: {  	[dreg:$0x1] =	wrdreg $0xFFFFFFFF  }
0xc1: {  	_ =	task.clear_ibuf [dreg:s7], $0x2FFFF;
	_ =	strace $0x9FFFFFFF  }
0xc2: {  	(tm) =	ssettm $0x7FFFFFFF  }
0xc3: {  	_ =	shalt  }
tec
execute0_lowered:
.L_overlay_start_1:
0x0: {  	(tag) =	ssettag $0x1  }
0x1: {  	s0 =	srdreg.scid;
	s1 =	stileid.u32  }
0x2: {  	s0 =	sand.u32 $0x1, s0;
	s1 =	sshll.u32 s1, $0x1  }
0x3: {  	s1 =	sor.u32 s0, s1  }
0x4: {  	s3 =	rddreg [dreg:$0x0];
	s5 =	smul.u32 $0x3400, s1  }
0x5: {  	s4 =	rddreg [dreg:$0x1];
	s2 =	simm.s32 $0x0;
	s1 =	smul.u32 $0x34000, s1  }
0x6: {  	s9 =	simm.s32 $0x2;
	[smem:$0x7FF] =	sst s2  }
0x7: {  	_ =	strace $0x80000047;
	s5 =	sshrl.u32 s5, $0x3;
	s1 =	sshrl.u32 s1, $0x3  }
0x8: {  	s0 =	ssub.s32 $0x2, s0;
	s5 =	sadd.s32 s5, s3;
	s23 =	sadd.s32 s4, s1  }
0x9: {  	s29 =	sshrl.u32 s0, $0x1;
	s6 =	sadd.s32 $0x4F8A00, s5;
	[dreg:$0xa] =	wrdreg s23  }
0xa: {  	s0 =	ssub.s32 s0, s29;
	s24 =	sadd.s32 $0x4F8BA0, s5;
	[dreg:$0x3] =	wrdreg s6  }
0xb: {  	s0 =	smax.u32 s0, $0x1;
	s25 =	sadd.s32 $0x1A00, s23;
	[dreg:$0x4] =	wrdreg s24  }
0xc: {  	p1 =	sne.s32 s0, $0x1;
	s26 =	sadd.s32 $0x4F8D40, s5;
	[dreg:$0x5] =	wrdreg s25  }
.Ltmp0:
0xd: {  	s28 =	sadd.s32 $0x3400, s23;
	[dreg:$0x6] =	wrdreg s26;
	(pc) =	sbr.rel @!p1 .LBB2_1-.Ltmp0, $4  }
0xe: {  	p0 =	por $0x0, $0x0;
	s30 =	sadd.s32 $0x4F8EE0, s5;
	[dreg:$0x7] =	wrdreg s28  }
0xf: {  	s11 =	simm.s32 $0x1;
	s31 =	sadd.s32 $0x4E00, s23;
	[dreg:$0x8] =	wrdreg s30  }
0x10: {  	s4 =	sadd.s32 $0xA00, s3;
	s3 =	sadd.s32 $0xFFFFFFFF, s0;
	[dreg:$0x9] =	wrdreg s31  }
0x11: {  	s5 =	simm.s32 $0xD00;
	s6 =	simm.s32 $0x80;
	s1 =	rddreg [dreg:$0x3]  }
0x12: {  	[tilespmem:s2], [sflag:$0x2] =	stream.linear.gather [hbm4b:s1+s2], $0xD00, $0x38;
	[tilespmem:$0xDD00] =	vst v63  }
0x13: {  	_ =	swait.ge [sflag:s9], $0xD00  }
0x14: {  	[sflag:s9] =	ssyncset.done $0x0  }
0x15: {  	[sflag:s9] =	ssyncadd.s32 $0xFFFFF300  }
0x16: {  	[tilespmem:s5], [sflag:$0x1] =	stream.indirect.gather [hbm4b:s4+s6], $0x10, s2, s6, $0xb8;
	[tilespmem:$0xDD00] =	vst v63  }
0x17: {  	s0 =	simm.s32 $0x1500  }
0x18: {  	[tilespmem:s0], [sflag:$0x1] =	stream.indirect.gather [hbm4b:s4+s6], $0x10, s6, s6, $0xb8;
	[tilespmem:$0xDD00] =	vst v63  }
0x19: {  	s30 =	simm.s32 $0x100;
	s31 =	simm.s32 $0x1D00  }
0x1a: {  	[tilespmem:s31], [sflag:$0x1] =	stream.indirect.gather [hbm4b:s4+s6], $0x10, s30, s6, $0xb8;
	[tilespmem:$0xDD00] =	vst v63  }
0x1b: {  	s2 =	simm.s32 $0x180;
	s5 =	simm.s32 $0x2500  }
0x1c: {  	[tilespmem:s5], [sflag:$0x1] =	stream.indirect.gather [hbm4b:s4+s6], $0x10, s2, s6, $0xb8;
	[tilespmem:$0xDD00] =	vst v63  }
0x1d: {  	s7 =	simm.s32 $0x200;
	s8 =	simm.s32 $0x2D00  }
0x1e: {  	[tilespmem:s8], [sflag:$0x1] =	stream.indirect.gather [hbm4b:s4+s6], $0x10, s7, s6, $0xb8;
	[tilespmem:$0xDD00] =	vst v63  }
0x1f: {  	s10 =	simm.s32 $0x280;
	s12 =	simm.s32 $0x3500  }
0x20: {  	[tilespmem:s12], [sflag:$0x1] =	stream.indirect.gather [hbm4b:s4+s6], $0x10, s10, s6, $0xb8;
	[tilespmem:$0xDD00] =	vst v63  }
0x21: {  	s13 =	simm.s32 $0x300;
	s14 =	simm.s32 $0x3D00  }
0x22: {  	[tilespmem:s14], [sflag:$0x1] =	stream.indirect.gather [hbm4b:s4+s6], $0x10, s13, s6, $0xb8;
	[tilespmem:$0xDD00] =	vst v63  }
0x23: {  	s15 =	simm.s32 $0x380;
	s16 =	simm.s32 $0x4500  }
0x24: {  	[tilespmem:s16], [sflag:$0x1] =	stream.indirect.gather [hbm4b:s4+s6], $0x10, s15, s6, $0xb8;
	[tilespmem:$0xDD00] =	vst v63  }
0x25: {  	s17 =	simm.s32 $0x400;
	s18 =	simm.s32 $0x4D00  }
0x26: {  	[tilespmem:s18], [sflag:$0x1] =	stream.indirect.gather [hbm4b:s4+s6], $0x10, s17, s6, $0xb8;
	[tilespmem:$0xDD00] =	vst v63  }
0x27: {  	s19 =	simm.s32 $0x480;
	s20 =	simm.s32 $0x5500  }
0x28: {  	[tilespmem:s20], [sflag:$0x1] =	stream.indirect.gather [hbm4b:s4+s6], $0x10, s19, s6, $0xb8;
	[tilespmem:$0xDD00] =	vst v63  }
0x29: {  	s21 =	simm.s32 $0x500;
	s23 =	simm.s32 $0x5D00  }
0x2a: {  	[tilespmem:s23], [sflag:$0x1] =	stream.indirect.gather [hbm4b:s4+s6], $0x10, s21, s6, $0xb8;
	[tilespmem:$0xDD00] =	vst v63  }
0x2b: {  	s24 =	simm.s32 $0x580;
	s25 =	simm.s32 $0x6500  }
0x2c: {  	[tilespmem:s25], [sflag:$0x1] =	stream.indirect.gather [hbm4b:s4+s6], $0x10, s24, s6, $0xb8;
	[tilespmem:$0xDD00] =	vst v63  }
0x2d: {  	s26 =	simm.s32 $0x600;
	s28 =	simm.s32 $0x6D00  }
0x2e: {  	[tilespmem:s28], [sflag:$0x1] =	stream.indirect.gather [hbm4b:s4+s6], $0x10, s26, s6, $0xb8;
	[tilespmem:$0xDD00] =	vst v63  }
0x2f: {  	s29 =	simm.s32 $0x680;
	s31 =	simm.s32 $0x7500  }
0x30: {  	[tilespmem:s31], [sflag:$0x1] =	stream.indirect.gather [hbm4b:s4+s6], $0x10, s29, s6, $0xb8;
	[tilespmem:$0xDD00] =	vst v63  }
0x31: {  	s1 =	simm.s32 $0x700;
	s5 =	simm.s32 $0x7D00  }
0x32: {  	[tilespmem:s5], [sflag:$0x1] =	stream.indirect.gather [hbm4b:s4+s6], $0x10, s1, s6, $0xb8;
	[tilespmem:$0xDD00] =	vst v63  }
0x33: {  	s7 =	simm.s32 $0x780;
	s8 =	simm.s32 $0x8500  }
0x34: {  	[tilespmem:s8], [sflag:$0x1] =	stream.indirect.gather [hbm4b:s4+s6], $0x10, s7, s6, $0xb8;
	[tilespmem:$0xDD00] =	vst v63  }
0x35: {  	s12 =	simm.s32 $0x800;
	s14 =	simm.s32 $0x8D00  }
0x36: {  	[tilespmem:s14], [sflag:$0x1] =	stream.indirect.gather [hbm4b:s4+s6], $0x10, s12, s6, $0xb8;
	[tilespmem:$0xDD00] =	vst v63  }
0x37: {  	s15 =	simm.s32 $0x880;
	s16 =	simm.s32 $0x9500  }
0x38: {  	[tilespmem:s16], [sflag:$0x1] =	stream.indirect.gather [hbm4b:s4+s6], $0x10, s15, s6, $0xb8;
	[tilespmem:$0xDD00] =	vst v63  }
0x39: {  	s18 =	simm.s32 $0x900;
	s21 =	simm.s32 $0x9D00  }
0x3a: {  	[tilespmem:s21], [sflag:$0x1] =	stream.indirect.gather [hbm4b:s4+s6], $0x10, s18, s6, $0xb8;
	[tilespmem:$0xDD00] =	vst v63  }
0x3b: {  	s24 =	simm.s32 $0x980;
	s25 =	simm.s32 $0xA500  }
0x3c: {  	[tilespmem:s25], [sflag:$0x1] =	stream.indirect.gather [hbm4b:s4+s6], $0x10, s24, s6, $0xb8;
	[tilespmem:$0xDD00] =	vst v63  }
0x3d: {  	s26 =	simm.s32 $0xA00;
	s29 =	simm.s32 $0xAD00  }
0x3e: {  	[tilespmem:s29], [sflag:$0x1] =	stream.indirect.gather [hbm4b:s4+s6], $0x10, s26, s6, $0xb8;
	[tilespmem:$0xDD00] =	vst v63  }
0x3f: {  	s5 =	simm.s32 $0xA80;
	s7 =	simm.s32 $0xB500  }
0x40: {  	[tilespmem:s7], [sflag:$0x1] =	stream.indirect.gather [hbm4b:s4+s6], $0x10, s5, s6, $0xb8;
	[tilespmem:$0xDD00] =	vst v63  }
0x41: {  	s8 =	simm.s32 $0xB00;
	s12 =	simm.s32 $0xBD00  }
0x42: {  	[tilespmem:s12], [sflag:$0x1] =	stream.indirect.gather [hbm4b:s4+s6], $0x10, s8, s6, $0xb8;
	[tilespmem:$0xDD00] =	vst v63  }
0x43: {  	s14 =	simm.s32 $0xB80;
	s15 =	simm.s32 $0xC500  }
0x44: {  	[tilespmem:s15], [sflag:$0x1] =	stream.indirect.gather [hbm4b:s4+s6], $0x10, s14, s6, $0xb8;
	[tilespmem:$0xDD00] =	vst v63  }
0x45: {  	s16 =	simm.s32 $0xC00;
	s18 =	simm.s32 $0xCD00  }
0x46: {  	[tilespmem:s18], [sflag:$0x1] =	stream.indirect.gather [hbm4b:s4+s6], $0x10, s16, s6, $0xb8;
	[tilespmem:$0xDD00] =	vst v63  }
0x47: {  	[dreg:$0xb] =	wrdreg s3;
	s21 =	simm.s32 $0xC80;
	s24 =	simm.s32 $0xD500  }
0x48: {  	[tilespmem:s24], [sflag:$0x1] =	stream.indirect.gather [hbm4b:s4+s6], $0x10, s21, s6, $0xb8;
	[tilespmem:$0xDD00] =	vst v63  }
0x49: {  	_ =	swait.ge [sflag:s11], $0xD000  }
0x4a: {  	s3 =	simm.s32 $0xD00;
	[sflag:s11] =	ssyncset.done $0x0  }
0x4b: {  	s0 =	simm.s32 $0x0;
	s25 =	rddreg [dreg:$0xa];
	[sflag:s11] =	ssyncadd.s32 $0xFFFF3000  }
0x4c: {  	[hbm4b:s25+s0] =	stream.linear.scatter [tilespmem:s3], [sflag:$0x2], $0xD000, $0x38;
	[tilespmem:$0xDD00] =	vst v63  }
0x4d: {  	_ =	swait.ge [sflag:s9], $0xD000  }
0x4e: {  	[sflag:s9] =	ssyncset.done $0x0  }
0x4f: {  	s26 =	rddreg [dreg:$0x4];
	[sflag:s9] =	ssyncadd.s32 $0xFFFF3000  }
0x50: {  	[tilespmem:s0], [sflag:$0x2] =	stream.linear.gather [hbm4b:s26+s0], $0xD00, $0x38;
	[tilespmem:$0xDD00] =	vst v63  }
0x51: {  	_ =	swait.ge [sflag:s9], $0xD00  }
0x52: {  	[sflag:s9] =	ssyncset.done $0x0  }
0x53: {  	[sflag:s9] =	ssyncadd.s32 $0xFFFFF300  }
0x54: {  	[tilespmem:s3], [sflag:$0x1] =	stream.indirect.gather [hbm4b:s4+s6], $0x10, s0, s6, $0xb8;
	[tilespmem:$0xDD00] =	vst v63  }
0x55: {  	s2 =	simm.s32 $0x1500  }
0x56: {  	[tilespmem:s2], [sflag:$0x1] =	stream.indirect.gather [hbm4b:s4+s6], $0x10, s6, s6, $0xb8;
	[tilespmem:$0xDD00] =	vst v63  }
0x57: {  	s5 =	simm.s32 $0x100;
	s7 =	simm.s32 $0x1D00  }
0x58: {  	[tilespmem:s7], [sflag:$0x1] =	stream.indirect.gather [hbm4b:s4+s6], $0x10, s5, s6, $0xb8;
	[tilespmem:$0xDD00] =	vst v63  }
0x59: {  	s8 =	simm.s32 $0x2500;
	s18 =	simm.s32 $0x180  }
0x5a: {  	[tilespmem:s8], [sflag:$0x1] =	stream.indirect.gather [hbm4b:s4+s6], $0x10, s18, s6, $0xb8;
	[tilespmem:$0xDD00] =	vst v63  }
0x5b: {  	s29 =	simm.s32 $0x200;
	s12 =	simm.s32 $0x2D00  }
0x5c: {  	[tilespmem:s12], [sflag:$0x1] =	stream.indirect.gather [hbm4b:s4+s6], $0x10, s29, s6, $0xb8;
	[tilespmem:$0xDD00] =	vst v63  }
0x5d: {  	s14 =	simm.s32 $0x3500;
	s21 =	simm.s32 $0x280  }
0x5e: {  	[tilespmem:s14], [sflag:$0x1] =	stream.indirect.gather [hbm4b:s4+s6], $0x10, s21, s6, $0xb8;
	[tilespmem:$0xDD00] =	vst v63  }
0x5f: {  	s15 =	simm.s32 $0x3D00;
	s26 =	simm.s32 $0x300  }
0x60: {  	[tilespmem:s15], [sflag:$0x1] =	stream.indirect.gather [hbm4b:s4+s6], $0x10, s26, s6, $0xb8;
	[tilespmem:$0xDD00] =	vst v63  }
0x61: {  	s16 =	simm.s32 $0x380;
	s24 =	simm.s32 $0x4500  }
0x62: {  	[tilespmem:s24], [sflag:$0x1] =	stream.indirect.gather [hbm4b:s4+s6], $0x10, s16, s6, $0xb8;
	[tilespmem:$0xDD00] =	vst v63  }
0x63: {  	s22 =	simm.s32 $0x400;
	s10 =	simm.s32 $0x4D00  }
0x64: {  	[tilespmem:s10], [sflag:$0x1] =	stream.indirect.gather [hbm4b:s4+s6], $0x10, s22, s6, $0xb8;
	[tilespmem:$0xDD00] =	vst v63  }
0x65: {  	s25 =	simm.s32 $0x480;
	s10 =	simm.s32 $0x5500  }
0x66: {  	[tilespmem:s10], [sflag:$0x1] =	stream.indirect.gather [hbm4b:s4+s6], $0x10, s25, s6, $0xb8;
	[tilespmem:$0xDD00] =	vst v63  }
0x67: {  	s1 =	simm.s32 $0x500;
	s22 =	simm.s32 $0x5D00  }
0x68: {  	[tilespmem:s22], [sflag:$0x1] =	stream.indirect.gather [hbm4b:s4+s6], $0x10, s1, s6, $0xb8;
	[tilespmem:$0xDD00] =	vst v63  }
0x69: {  	s30 =	simm.s32 $0x580;
	s23 =	simm.s32 $0x6500  }
0x6a: {  	[tilespmem:s23], [sflag:$0x1] =	stream.indirect.gather [hbm4b:s4+s6], $0x10, s30, s6, $0xb8;
	[tilespmem:$0xDD00] =	vst v63  }
0x6b: {  	s19 =	simm.s32 $0x600;
	s28 =	simm.s32 $0x6D00  }
0x6c: {  	[tilespmem:s28], [sflag:$0x1] =	stream.indirect.gather [hbm4b:s4+s6], $0x10, s19, s6, $0xb8;
	[tilespmem:$0xDD00] =	vst v63  }
0x6d: {  	s13 =	simm.s32 $0x680;
	s31 =	simm.s32 $0x7500  }
0x6e: {  	[tilespmem:s31], [sflag:$0x1] =	stream.indirect.gather [hbm4b:s4+s6], $0x10, s13, s6, $0xb8;
	[tilespmem:$0xDD00] =	vst v63  }
0x6f: {  	s30 =	simm.s32 $0x700;
	s28 =	simm.s32 $0x7D00  }
0x70: {  	[tilespmem:s28], [sflag:$0x1] =	stream.indirect.gather [hbm4b:s4+s6], $0x10, s30, s6, $0xb8;
	[tilespmem:$0xDD00] =	vst v63  }
0x71: {  	s19 =	simm.s32 $0x8500;
	s30 =	simm.s32 $0x780  }
0x72: {  	[tilespmem:s19], [sflag:$0x1] =	stream.indirect.gather [hbm4b:s4+s6], $0x10, s30, s6, $0xb8;
	[tilespmem:$0xDD00] =	vst v63  }
0x73: {  	s17 =	simm.s32 $0x8D00;
	s23 =	simm.s32 $0x800  }
0x74: {  	[tilespmem:s17], [sflag:$0x1] =	stream.indirect.gather [hbm4b:s4+s6], $0x10, s23, s6, $0xb8;
	[tilespmem:$0xDD00] =	vst v63  }
0x75: {  	s20 =	simm.s32 $0x880;
	s17 =	simm.s32 $0x9500  }
0x76: {  	[tilespmem:s17], [sflag:$0x1] =	stream.indirect.gather [hbm4b:s4+s6], $0x10, s20, s6, $0xb8;
	[tilespmem:$0xDD00] =	vst v63  }
0x77: {  	s13 =	simm.s32 $0x9D00;
	s28 =	simm.s32 $0x900  }
0x78: {  	[tilespmem:s13], [sflag:$0x1] =	stream.indirect.gather [hbm4b:s4+s6], $0x10, s28, s6, $0xb8;
	[tilespmem:$0xDD00] =	vst v63  }
0x79: {  	s31 =	simm.s32 $0xA500;
	s20 =	simm.s32 $0x980  }
0x7a: {  	[tilespmem:s31], [sflag:$0x1] =	stream.indirect.gather [hbm4b:s4+s6], $0x10, s20, s6, $0xb8;
	[tilespmem:$0xDD00] =	vst v63  }
0x7b: {  	s1 =	simm.s32 $0xAD00;
	s31 =	simm.s32 $0xA00  }
0x7c: {  	[tilespmem:s1], [sflag:$0x1] =	stream.indirect.gather [hbm4b:s4+s6], $0x10, s31, s6, $0xb8;
	[tilespmem:$0xDD00] =	vst v63  }
0x7d: {  	s1 =	simm.s32 $0xB500;
	s31 =	simm.s32 $0xA80  }
0x7e: {  	[tilespmem:s1], [sflag:$0x1] =	stream.indirect.gather [hbm4b:s4+s6], $0x10, s31, s6, $0xb8;
	[tilespmem:$0xDD00] =	vst v63  }
0x7f: {  	s1 =	simm.s32 $0xBD00;
	s31 =	simm.s32 $0xB00  }
0x80: {  	[tilespmem:s1], [sflag:$0x1] =	stream.indirect.gather [hbm4b:s4+s6], $0x10, s31, s6, $0xb8;
	[tilespmem:$0xDD00] =	vst v63  }
0x81: {  	s1 =	simm.s32 $0xC500;
	s31 =	simm.s32 $0xB80  }
0x82: {  	[tilespmem:s1], [sflag:$0x1] =	stream.indirect.gather [hbm4b:s4+s6], $0x10, s31, s6, $0xb8;
	[tilespmem:$0xDD00] =	vst v63  }
0x83: {  	s1 =	simm.s32 $0xCD00;
	s31 =	simm.s32 $0xC00  }
0x84: {  	[tilespmem:s1], [sflag:$0x1] =	stream.indirect.gather [hbm4b:s4+s6], $0x10, s31, s6, $0xb8;
	[tilespmem:$0xDD00] =	vst v63  }
0x85: {  	s31 =	simm.s32 $0xC80;
	s1 =	simm.s32 $0xD500  }
0x86: {  	[tilespmem:s1], [sflag:$0x1] =	stream.indirect.gather [hbm4b:s4+s6], $0x10, s31, s6, $0xb8;
	[tilespmem:$0xDD00] =	vst v63  }
0x87: {  	_ =	swait.ge [sflag:s11], $0xD000  }
0x88: {  	[sflag:s11] =	ssyncset.done $0x0  }
0x89: {  	s1 =	rddreg [dreg:$0x5];
	[sflag:s11] =	ssyncadd.s32 $0xFFFF3000  }
0x8a: {  	[hbm4b:s1+s0] =	stream.linear.scatter [tilespmem:s3], [sflag:$0x2], $0xD000, $0x38;
	[tilespmem:$0xDD00] =	vst v63  }
0x8b: {  	_ =	swait.ge [sflag:s9], $0xD000  }
0x8c: {  	[sflag:s9] =	ssyncset.done $0x0  }
0x8d: {  	s1 =	rddreg [dreg:$0x6];
	[sflag:s9] =	ssyncadd.s32 $0xFFFF3000  }
0x8e: {  	[tilespmem:s0], [sflag:$0x2] =	stream.linear.gather [hbm4b:s1+s0], $0xD00, $0x38;
	[tilespmem:$0xDD00] =	vst v63  }
0x8f: {  	_ =	swait.ge [sflag:s9], $0xD00  }
0x90: {  	[sflag:s9] =	ssyncset.done $0x0  }
0x91: {  	[sflag:s9] =	ssyncadd.s32 $0xFFFFF300  }
0x92: {  	[tilespmem:s3], [sflag:$0x1] =	stream.indirect.gather [hbm4b:s4+s6], $0x10, s0, s6, $0xb8;
	[tilespmem:$0xDD00] =	vst v63  }
0x93: {  	_ = 	snop  }
0x94: {  	[tilespmem:s2], [sflag:$0x1] =	stream.indirect.gather [hbm4b:s4+s6], $0x10, s6, s6, $0xb8;
	[tilespmem:$0xDD00] =	vst v63  }
0x95: {  	_ = 	snop  }
0x96: {  	[tilespmem:s7], [sflag:$0x1] =	stream.indirect.gather [hbm4b:s4+s6], $0x10, s5, s6, $0xb8;
	[tilespmem:$0xDD00] =	vst v63  }
0x97: {  	_ = 	snop  }
0x98: {  	[tilespmem:s8], [sflag:$0x1] =	stream.indirect.gather [hbm4b:s4+s6], $0x10, s18, s6, $0xb8;
	[tilespmem:$0xDD00] =	vst v63  }
0x99: {  	_ = 	snop  }
0x9a: {  	[tilespmem:s12], [sflag:$0x1] =	stream.indirect.gather [hbm4b:s4+s6], $0x10, s29, s6, $0xb8;
	[tilespmem:$0xDD00] =	vst v63  }
0x9b: {  	_ = 	snop  }
0x9c: {  	[tilespmem:s14], [sflag:$0x1] =	stream.indirect.gather [hbm4b:s4+s6], $0x10, s21, s6, $0xb8;
	[tilespmem:$0xDD00] =	vst v63  }
0x9d: {  	_ = 	snop  }
0x9e: {  	[tilespmem:s15], [sflag:$0x1] =	stream.indirect.gather [hbm4b:s4+s6], $0x10, s26, s6, $0xb8;
	[tilespmem:$0xDD00] =	vst v63  }
0x9f: {  	_ = 	snop  }
0xa0: {  	[tilespmem:s24], [sflag:$0x1] =	stream.indirect.gather [hbm4b:s4+s6], $0x10, s16, s6, $0xb8;
	[tilespmem:$0xDD00] =	vst v63  }
0xa1: {  	s1 =	simm.s32 $0x4D00;
	s2 =	simm.s32 $0x400  }
0xa2: {  	[tilespmem:s1], [sflag:$0x1] =	stream.indirect.gather [hbm4b:s4+s6], $0x10, s2, s6, $0xb8;
	[tilespmem:$0xDD00] =	vst v63  }
0xa3: {  	_ = 	snop  }
0xa4: {  	[tilespmem:s10], [sflag:$0x1] =	stream.indirect.gather [hbm4b:s4+s6], $0x10, s25, s6, $0xb8;
	[tilespmem:$0xDD00] =	vst v63  }
0xa5: {  	s2 =	simm.s32 $0x500  }
0xa6: {  	[tilespmem:s22], [sflag:$0x1] =	stream.indirect.gather [hbm4b:s4+s6], $0x10, s2, s6, $0xb8;
	[tilespmem:$0xDD00] =	vst v63  }
0xa7: {  	s1 =	simm.s32 $0x580;
	s2 =	simm.s32 $0x6500  }
0xa8: {  	[tilespmem:s2], [sflag:$0x1] =	stream.indirect.gather [hbm4b:s4+s6], $0x10, s1, s6, $0xb8;
	[tilespmem:$0xDD00] =	vst v63  }
0xa9: {  	s1 =	simm.s32 $0x600;
	s2 =	simm.s32 $0x6D00  }
0xaa: {  	[tilespmem:s2], [sflag:$0x1] =	stream.indirect.gather [hbm4b:s4+s6], $0x10, s1, s6, $0xb8;
	[tilespmem:$0xDD00] =	vst v63  }
0xab: {  	s1 =	simm.s32 $0x680;
	s2 =	simm.s32 $0x7500  }
0xac: {  	[tilespmem:s2], [sflag:$0x1] =	stream.indirect.gather [hbm4b:s4+s6], $0x10, s1, s6, $0xb8;
	[tilespmem:$0xDD00] =	vst v63  }
0xad: {  	s1 =	simm.s32 $0x7D00;
	s2 =	simm.s32 $0x700  }
0xae: {  	[tilespmem:s1], [sflag:$0x1] =	stream.indirect.gather [hbm4b:s4+s6], $0x10, s2, s6, $0xb8;
	[tilespmem:$0xDD00] =	vst v63  }
0xaf: {  	_ = 	snop  }
0xb0: {  	[tilespmem:s19], [sflag:$0x1] =	stream.indirect.gather [hbm4b:s4+s6], $0x10, s30, s6, $0xb8;
	[tilespmem:$0xDD00] =	vst v63  }
0xb1: {  	s19 =	simm.s32 $0x8D00  }
0xb2: {  	[tilespmem:s19], [sflag:$0x1] =	stream.indirect.gather [hbm4b:s4+s6], $0x10, s23, s6, $0xb8;
	[tilespmem:$0xDD00] =	vst v63  }
0xb3: {  	s2 =	simm.s32 $0x880  }
0xb4: {  	[tilespmem:s17], [sflag:$0x1] =	stream.indirect.gather [hbm4b:s4+s6], $0x10, s2, s6, $0xb8;
	[tilespmem:$0xDD00] =	vst v63  }
0xb5: {  	_ = 	snop  }
0xb6: {  	[tilespmem:s13], [sflag:$0x1] =	stream.indirect.gather [hbm4b:s4+s6], $0x10, s28, s6, $0xb8;
	[tilespmem:$0xDD00] =	vst v63  }
0xb7: {  	s19 =	simm.s32 $0xA500  }
0xb8: {  	[tilespmem:s19], [sflag:$0x1] =	stream.indirect.gather [hbm4b:s4+s6], $0x10, s20, s6, $0xb8;
	[tilespmem:$0xDD00] =	vst v63  }
0xb9: {  	s23 =	simm.s32 $0xAD00;
	s28 =	simm.s32 $0xA00  }
0xba: {  	[tilespmem:s23], [sflag:$0x1] =	stream.indirect.gather [hbm4b:s4+s6], $0x10, s28, s6, $0xb8;
	[tilespmem:$0xDD00] =	vst v63  }
0xbb: {  	s2 =	simm.s32 $0xB500;
	s17 =	simm.s32 $0xA80  }
0xbc: {  	[tilespmem:s2], [sflag:$0x1] =	stream.indirect.gather [hbm4b:s4+s6], $0x10, s17, s6, $0xb8;
	[tilespmem:$0xDD00] =	vst v63  }
0xbd: {  	s20 =	simm.s32 $0xBD00;
	s23 =	simm.s32 $0xB00  }
0xbe: {  	[tilespmem:s20], [sflag:$0x1] =	stream.indirect.gather [hbm4b:s4+s6], $0x10, s23, s6, $0xb8;
	[tilespmem:$0xDD00] =	vst v63  }
0xbf: {  	s2 =	simm.s32 $0xC500;
	s20 =	simm.s32 $0xB80  }
0xc0: {  	[tilespmem:s2], [sflag:$0x1] =	stream.indirect.gather [hbm4b:s4+s6], $0x10, s20, s6, $0xb8;
	[tilespmem:$0xDD00] =	vst v63  }
0xc1: {  	s1 =	simm.s32 $0xCD00;
	s2 =	simm.s32 $0xC00  }
0xc2: {  	[tilespmem:s1], [sflag:$0x1] =	stream.indirect.gather [hbm4b:s4+s6], $0x10, s2, s6, $0xb8;
	[tilespmem:$0xDD00] =	vst v63  }
0xc3: {  	s2 =	simm.s32 $0xD500  }
0xc4: {  	[tilespmem:s2], [sflag:$0x1] =	stream.indirect.gather [hbm4b:s4+s6], $0x10, s31, s6, $0xb8;
	[tilespmem:$0xDD00] =	vst v63  }
0xc5: {  	_ =	swait.ge [sflag:s11], $0xD000  }
0xc6: {  	[sflag:s11] =	ssyncset.done $0x0  }
0xc7: {  	s2 =	rddreg [dreg:$0x7];
	[sflag:s11] =	ssyncadd.s32 $0xFFFF3000  }
0xc8: {  	[hbm4b:s2+s0] =	stream.linear.scatter [tilespmem:s3], [sflag:$0x2], $0xD000, $0x38;
	[tilespmem:$0xDD00] =	vst v63  }
0xc9: {  	_ =	swait.ge [sflag:s9], $0xD000  }
0xca: {  	[sflag:s9] =	ssyncset.done $0x0  }
0xcb: {  	s2 =	rddreg [dreg:$0x8];
	[sflag:s9] =	ssyncadd.s32 $0xFFFF3000  }
0xcc: {  	[tilespmem:s0], [sflag:$0x2] =	stream.linear.gather [hbm4b:s2+s0], $0xD00, $0x38;
	[tilespmem:$0xDD00] =	vst v63  }
0xcd: {  	_ =	swait.ge [sflag:s9], $0xD00  }
0xce: {  	[sflag:s9] =	ssyncset.done $0x0  }
0xcf: {  	[sflag:s9] =	ssyncadd.s32 $0xFFFFF300  }
0xd0: {  	[tilespmem:s3], [sflag:$0x1] =	stream.indirect.gather [hbm4b:s4+s6], $0x10, s0, s6, $0xb8;
	[tilespmem:$0xDD00] =	vst v63  }
0xd1: {  	s3 =	simm.s32 $0x1500  }
0xd2: {  	[tilespmem:s3], [sflag:$0x1] =	stream.indirect.gather [hbm4b:s4+s6], $0x10, s6, s6, $0xb8;
	[tilespmem:$0xDD00] =	vst v63  }
0xd3: {  	s7 =	simm.s32 $0x1D00;
	s5 =	simm.s32 $0x100  }
0xd4: {  	[tilespmem:s7], [sflag:$0x1] =	stream.indirect.gather [hbm4b:s4+s6], $0x10, s5, s6, $0xb8;
	[tilespmem:$0xDD00] =	vst v63  }
0xd5: {  	s8 =	simm.s32 $0x2500;
	s18 =	simm.s32 $0x180  }
0xd6: {  	[tilespmem:s8], [sflag:$0x1] =	stream.indirect.gather [hbm4b:s4+s6], $0x10, s18, s6, $0xb8;
	[tilespmem:$0xDD00] =	vst v63  }
0xd7: {  	s12 =	simm.s32 $0x2D00;
	s29 =	simm.s32 $0x200  }
0xd8: {  	[tilespmem:s12], [sflag:$0x1] =	stream.indirect.gather [hbm4b:s4+s6], $0x10, s29, s6, $0xb8;
	[tilespmem:$0xDD00] =	vst v63  }
0xd9: {  	s14 =	simm.s32 $0x3500;
	s21 =	simm.s32 $0x280  }
0xda: {  	[tilespmem:s14], [sflag:$0x1] =	stream.indirect.gather [hbm4b:s4+s6], $0x10, s21, s6, $0xb8;
	[tilespmem:$0xDD00] =	vst v63  }
0xdb: {  	s15 =	simm.s32 $0x3D00;
	s26 =	simm.s32 $0x300  }
0xdc: {  	[tilespmem:s15], [sflag:$0x1] =	stream.indirect.gather [hbm4b:s4+s6], $0x10, s26, s6, $0xb8;
	[tilespmem:$0xDD00] =	vst v63  }
0xdd: {  	s16 =	simm.s32 $0x380;
	s24 =	simm.s32 $0x4500  }
0xde: {  	[tilespmem:s24], [sflag:$0x1] =	stream.indirect.gather [hbm4b:s4+s6], $0x10, s16, s6, $0xb8;
	[tilespmem:$0xDD00] =	vst v63  }
0xdf: {  	s15 =	simm.s32 $0x4D00;
	s16 =	simm.s32 $0x400  }
0xe0: {  	[tilespmem:s15], [sflag:$0x1] =	stream.indirect.gather [hbm4b:s4+s6], $0x10, s16, s6, $0xb8;
	[tilespmem:$0xDD00] =	vst v63  }
0xe1: {  	s10 =	simm.s32 $0x5500;
	s25 =	simm.s32 $0x480  }
0xe2: {  	[tilespmem:s10], [sflag:$0x1] =	stream.indirect.gather [hbm4b:s4+s6], $0x10, s25, s6, $0xb8;
	[tilespmem:$0xDD00] =	vst v63  }
0xe3: {  	s22 =	simm.s32 $0x5D00;
	s18 =	simm.s32 $0x500  }
0xe4: {  	[tilespmem:s22], [sflag:$0x1] =	stream.indirect.gather [hbm4b:s4+s6], $0x10, s18, s6, $0xb8;
	[tilespmem:$0xDD00] =	vst v63  }
0xe5: {  	s21 =	simm.s32 $0x580;
	s22 =	simm.s32 $0x6500  }
0xe6: {  	[tilespmem:s22], [sflag:$0x1] =	stream.indirect.gather [hbm4b:s4+s6], $0x10, s21, s6, $0xb8;
	[tilespmem:$0xDD00] =	vst v63  }
0xe7: {  	s24 =	simm.s32 $0x600;
	s25 =	simm.s32 $0x6D00  }
0xe8: {  	[tilespmem:s25], [sflag:$0x1] =	stream.indirect.gather [hbm4b:s4+s6], $0x10, s24, s6, $0xb8;
	[tilespmem:$0xDD00] =	vst v63  }
0xe9: {  	s29 =	simm.s32 $0x7500;
	s26 =	simm.s32 $0x680  }
0xea: {  	[tilespmem:s29], [sflag:$0x1] =	stream.indirect.gather [hbm4b:s4+s6], $0x10, s26, s6, $0xb8;
	[tilespmem:$0xDD00] =	vst v63  }
0xeb: {  	s3 =	simm.s32 $0x7D00;
	s7 =	simm.s32 $0x700  }
0xec: {  	[tilespmem:s3], [sflag:$0x1] =	stream.indirect.gather [hbm4b:s4+s6], $0x10, s7, s6, $0xb8;
	[tilespmem:$0xDD00] =	vst v63  }
0xed: {  	s30 =	simm.s32 $0x780;
	s8 =	simm.s32 $0x8500  }
0xee: {  	[tilespmem:s8], [sflag:$0x1] =	stream.indirect.gather [hbm4b:s4+s6], $0x10, s30, s6, $0xb8;
	[tilespmem:$0xDD00] =	vst v63  }
0xef: {  	s12 =	simm.s32 $0x800;
	s10 =	simm.s32 $0x8D00  }
0xf0: {  	[tilespmem:s10], [sflag:$0x1] =	stream.indirect.gather [hbm4b:s4+s6], $0x10, s12, s6, $0xb8;
	[tilespmem:$0xDD00] =	vst v63  }
0xf1: {  	s14 =	simm.s32 $0x9500;
	s15 =	simm.s32 $0x880  }
0xf2: {  	[tilespmem:s14], [sflag:$0x1] =	stream.indirect.gather [hbm4b:s4+s6], $0x10, s15, s6, $0xb8;
	[tilespmem:$0xDD00] =	vst v63  }
0xf3: {  	s16 =	simm.s32 $0x9D00;
	s18 =	simm.s32 $0x900  }
0xf4: {  	[tilespmem:s16], [sflag:$0x1] =	stream.indirect.gather [hbm4b:s4+s6], $0x10, s18, s6, $0xb8;
	[tilespmem:$0xDD00] =	vst v63  }
0xf5: {  	s13 =	simm.s32 $0xA500;
	s21 =	simm.s32 $0x980  }
0xf6: {  	[tilespmem:s13], [sflag:$0x1] =	stream.indirect.gather [hbm4b:s4+s6], $0x10, s21, s6, $0xb8;
	[tilespmem:$0xDD00] =	vst v63  }
0xf7: {  	s19 =	simm.s32 $0xA00;
	s28 =	simm.s32 $0xAD00  }
0xf8: {  	[tilespmem:s28], [sflag:$0x1] =	stream.indirect.gather [hbm4b:s4+s6], $0x10, s19, s6, $0xb8;
	[tilespmem:$0xDD00] =	vst v63  }
0xf9: {  	s17 =	simm.s32 $0xA80;
	s22 =	simm.s32 $0xB500  }
0xfa: {  	[tilespmem:s22], [sflag:$0x1] =	stream.indirect.gather [hbm4b:s4+s6], $0x10, s17, s6, $0xb8;
	[tilespmem:$0xDD00] =	vst v63  }
0xfb: {  	s23 =	simm.s32 $0xB00;
	s24 =	simm.s32 $0xBD00  }
0xfc: {  	[tilespmem:s24], [sflag:$0x1] =	stream.indirect.gather [hbm4b:s4+s6], $0x10, s23, s6, $0xb8;
	[tilespmem:$0xDD00] =	vst v63  }
0xfd: {  	s20 =	simm.s32 $0xB80;
	s25 =	simm.s32 $0xC500  }
0xfe: {  	[tilespmem:s25], [sflag:$0x1] =	stream.indirect.gather [hbm4b:s4+s6], $0x10, s20, s6, $0xb8;
	[tilespmem:$0xDD00] =	vst v63  }
0xff: {  	s26 =	simm.s32 $0xCD00;
	s28 =	simm.s32 $0xC00  }
0x100: {  	[tilespmem:s26], [sflag:$0x1] =	stream.indirect.gather [hbm4b:s4+s6], $0x10, s28, s6, $0xb8;
	[tilespmem:$0xDD00] =	vst v63  }
0x101: {  	s31 =	simm.s32 $0xD500;
	s29 =	simm.s32 $0xC80  }
0x102: {  	[tilespmem:s31], [sflag:$0x1] =	stream.indirect.gather [hbm4b:s4+s6], $0x10, s29, s6, $0xb8;
	[tilespmem:$0xDD00] =	vst v63  }
0x103: {  	_ =	swait.ge [sflag:s11], $0xD000  }
0x104: {  	s31 =	rddreg [dreg:$0xb]  }
0x105: {  	p1 =	sne.s32 s31, $0x1  }
.Ltmp1:
0x106: {  	s2 =	simm.s32 $0x0;
	[sflag:s11] =	ssyncset.done $0x0;
	(pc) =	sbr.rel @!p1 .LBB2_7-.Ltmp1, $4  }
0x107: {  	s5 =	simm.s32 $0xD00;
	s30 =	rddreg [dreg:$0x9];
	[sflag:s11] =	ssyncadd.s32 $0xFFFF3000  }
0x108: {  	[hbm4b:s30+s2] =	stream.linear.scatter [tilespmem:s5], [sflag:$0x2], $0xD000, $0x38;
	[tilespmem:$0xDD00] =	vst v63  }
0x109: {  	p0 =	por $0x1, $0x1;
	_ =	swait.ge [sflag:s9], $0xD000  }
0x10a: {  	s0 =	sadd.s32 $0xFFFFFFFF, s31;
	s1 =	rddreg [dreg:$0x3];
	[sflag:s9] =	ssyncset.done $0x0  }
0x10b: {  	s25 =	simm.s32 $0x0  }
.LBB2_4:
0x10c: {  	[sflag:s9] =	ssyncadd.s32 $0xFFFF3000  }
0x10d: {  	[tilespmem:s2], [sflag:$0x2] =	stream.linear.gather [hbm4b:s1+s2], $0xD00, $0x38;
	[tilespmem:$0xDD00] =	vst v63  }
0x10e: {  	_ =	swait.ge [sflag:s9], $0xD00  }
0x10f: {  	[sflag:s9] =	ssyncset.done $0x0  }
0x110: {  	[sflag:s9] =	ssyncadd.s32 $0xFFFFF300  }
0x111: {  	[tilespmem:s5], [sflag:$0x1] =	stream.indirect.gather [hbm4b:s4+s6], $0x10, s2, s6, $0xb8;
	[tilespmem:$0xDD00] =	vst v63  }
0x112: {  	s3 =	simm.s32 $0x1500  }
0x113: {  	[tilespmem:s3], [sflag:$0x1] =	stream.indirect.gather [hbm4b:s4+s6], $0x10, s6, s6, $0xb8;
	[tilespmem:$0xDD00] =	vst v63  }
0x114: {  	s8 =	simm.s32 $0x1D00;
	s5 =	simm.s32 $0x100  }
0x115: {  	[tilespmem:s8], [sflag:$0x1] =	stream.indirect.gather [hbm4b:s4+s6], $0x10, s5, s6, $0xb8;
	[tilespmem:$0xDD00] =	vst v63  }
0x116: {  	s10 =	simm.s32 $0x180;
	s12 =	simm.s32 $0x2500  }
0x117: {  	[tilespmem:s12], [sflag:$0x1] =	stream.indirect.gather [hbm4b:s4+s6], $0x10, s10, s6, $0xb8;
	[tilespmem:$0xDD00] =	vst v63  }
0x118: {  	s13 =	simm.s32 $0x200;
	s14 =	simm.s32 $0x2D00  }
0x119: {  	[tilespmem:s14], [sflag:$0x1] =	stream.indirect.gather [hbm4b:s4+s6], $0x10, s13, s6, $0xb8;
	[tilespmem:$0xDD00] =	vst v63  }
0x11a: {  	s15 =	simm.s32 $0x280;
	s16 =	simm.s32 $0x3500  }
0x11b: {  	[tilespmem:s16], [sflag:$0x1] =	stream.indirect.gather [hbm4b:s4+s6], $0x10, s15, s6, $0xb8;
	[tilespmem:$0xDD00] =	vst v63  }
0x11c: {  	s17 =	simm.s32 $0x300;
	s18 =	simm.s32 $0x3D00  }
0x11d: {  	[tilespmem:s18], [sflag:$0x1] =	stream.indirect.gather [hbm4b:s4+s6], $0x10, s17, s6, $0xb8;
	[tilespmem:$0xDD00] =	vst v63  }
0x11e: {  	s19 =	simm.s32 $0x380;
	s20 =	simm.s32 $0x4500  }
0x11f: {  	[tilespmem:s20], [sflag:$0x1] =	stream.indirect.gather [hbm4b:s4+s6], $0x10, s19, s6, $0xb8;
	[tilespmem:$0xDD00] =	vst v63  }
0x120: {  	s21 =	simm.s32 $0x400;
	s22 =	simm.s32 $0x4D00  }
0x121: {  	[tilespmem:s22], [sflag:$0x1] =	stream.indirect.gather [hbm4b:s4+s6], $0x10, s21, s6, $0xb8;
	[tilespmem:$0xDD00] =	vst v63  }
0x122: {  	s23 =	simm.s32 $0x480;
	s24 =	simm.s32 $0x5500  }
0x123: {  	[tilespmem:s24], [sflag:$0x1] =	stream.indirect.gather [hbm4b:s4+s6], $0x10, s23, s6, $0xb8;
	[tilespmem:$0xDD00] =	vst v63  }
0x124: {  	s28 =	simm.s32 $0x500;
	s29 =	simm.s32 $0x5D00  }
0x125: {  	[tilespmem:s29], [sflag:$0x1] =	stream.indirect.gather [hbm4b:s4+s6], $0x10, s28, s6, $0xb8;
	[tilespmem:$0xDD00] =	vst v63  }
0x126: {  	s30 =	simm.s32 $0x580;
	s31 =	simm.s32 $0x6500  }
0x127: {  	[tilespmem:s31], [sflag:$0x1] =	stream.indirect.gather [hbm4b:s4+s6], $0x10, s30, s6, $0xb8;
	[tilespmem:$0xDD00] =	vst v63  }
0x128: {  	s5 =	simm.s32 $0x600;
	s8 =	simm.s32 $0x6D00  }
0x129: {  	[tilespmem:s8], [sflag:$0x1] =	stream.indirect.gather [hbm4b:s4+s6], $0x10, s5, s6, $0xb8;
	[tilespmem:$0xDD00] =	vst v63  }
0x12a: {  	s10 =	simm.s32 $0x680;
	s21 =	simm.s32 $0x7500  }
0x12b: {  	[tilespmem:s21], [sflag:$0x1] =	stream.indirect.gather [hbm4b:s4+s6], $0x10, s10, s6, $0xb8;
	[tilespmem:$0xDD00] =	vst v63  }
0x12c: {  	s22 =	simm.s32 $0x700;
	s23 =	simm.s32 $0x7D00  }
0x12d: {  	[tilespmem:s23], [sflag:$0x1] =	stream.indirect.gather [hbm4b:s4+s6], $0x10, s22, s6, $0xb8;
	[tilespmem:$0xDD00] =	vst v63  }
0x12e: {  	s24 =	simm.s32 $0x780;
	s28 =	simm.s32 $0x8500  }
0x12f: {  	[tilespmem:s28], [sflag:$0x1] =	stream.indirect.gather [hbm4b:s4+s6], $0x10, s24, s6, $0xb8;
	[tilespmem:$0xDD00] =	vst v63  }
0x130: {  	s29 =	simm.s32 $0x800;
	s30 =	simm.s32 $0x8D00  }
0x131: {  	[tilespmem:s30], [sflag:$0x1] =	stream.indirect.gather [hbm4b:s4+s6], $0x10, s29, s6, $0xb8;
	[tilespmem:$0xDD00] =	vst v63  }
0x132: {  	s2 =	simm.s32 $0x9500;
	s31 =	simm.s32 $0x880  }
0x133: {  	[tilespmem:s2], [sflag:$0x1] =	stream.indirect.gather [hbm4b:s4+s6], $0x10, s31, s6, $0xb8;
	[tilespmem:$0xDD00] =	vst v63  }
0x134: {  	s10 =	simm.s32 $0x900;
	s28 =	simm.s32 $0x9D00  }
0x135: {  	[tilespmem:s28], [sflag:$0x1] =	stream.indirect.gather [hbm4b:s4+s6], $0x10, s10, s6, $0xb8;
	[tilespmem:$0xDD00] =	vst v63  }
0x136: {  	s29 =	simm.s32 $0x980;
	s2 =	simm.s32 $0xA500  }
0x137: {  	[tilespmem:s2], [sflag:$0x1] =	stream.indirect.gather [hbm4b:s4+s6], $0x10, s29, s6, $0xb8;
	[tilespmem:$0xDD00] =	vst v63  }
0x138: {  	s10 =	simm.s32 $0xA00;
	s2 =	simm.s32 $0xAD00  }
0x139: {  	[tilespmem:s2], [sflag:$0x1] =	stream.indirect.gather [hbm4b:s4+s6], $0x10, s10, s6, $0xb8;
	[tilespmem:$0xDD00] =	vst v63  }
0x13a: {  	s5 =	simm.s32 $0xA80;
	s2 =	simm.s32 $0xB500  }
0x13b: {  	[tilespmem:s2], [sflag:$0x1] =	stream.indirect.gather [hbm4b:s4+s6], $0x10, s5, s6, $0xb8;
	[tilespmem:$0xDD00] =	vst v63  }
0x13c: {  	s5 =	simm.s32 $0xB00;
	s2 =	simm.s32 $0xBD00  }
0x13d: {  	[tilespmem:s2], [sflag:$0x1] =	stream.indirect.gather [hbm4b:s4+s6], $0x10, s5, s6, $0xb8;
	[tilespmem:$0xDD00] =	vst v63  }
0x13e: {  	s5 =	simm.s32 $0xB80;
	s2 =	simm.s32 $0xC500  }
0x13f: {  	[tilespmem:s2], [sflag:$0x1] =	stream.indirect.gather [hbm4b:s4+s6], $0x10, s5, s6, $0xb8;
	[tilespmem:$0xDD00] =	vst v63  }
0x140: {  	s5 =	simm.s32 $0xC00;
	s2 =	simm.s32 $0xCD00  }
0x141: {  	[tilespmem:s2], [sflag:$0x1] =	stream.indirect.gather [hbm4b:s4+s6], $0x10, s5, s6, $0xb8;
	[tilespmem:$0xDD00] =	vst v63  }
0x142: {  	s5 =	simm.s32 $0xC80;
	s2 =	simm.s32 $0xD500  }
0x143: {  	[tilespmem:s2], [sflag:$0x1] =	stream.indirect.gather [hbm4b:s4+s6], $0x10, s5, s6, $0xb8;
	[tilespmem:$0xDD00] =	vst v63  }
0x144: {  	_ =	swait.ge [sflag:s11], $0xD000  }
0x145: {  	[sflag:s11] =	ssyncset.done $0x0  }
0x146: {  	s8 =	simm.s32 $0xD00;
	s5 =	rddreg [dreg:$0xa];
	[sflag:s11] =	ssyncadd.s32 $0xFFFF3000  }
0x147: {  	[hbm4b:s5+s25] =	stream.linear.scatter [tilespmem:s8], [sflag:$0x2], $0xD000, $0x38;
	[tilespmem:$0xDD00] =	vst v63  }
0x148: {  	_ =	swait.ge [sflag:s9], $0xD000  }
0x149: {  	[sflag:s9] =	ssyncset.done $0x0  }
0x14a: {  	s11 =	rddreg [dreg:$0x4];
	[sflag:s9] =	ssyncadd.s32 $0xFFFF3000  }
0x14b: {  	[tilespmem:s25], [sflag:$0x2] =	stream.linear.gather [hbm4b:s11+s25], $0xD00, $0x38;
	[tilespmem:$0xDD00] =	vst v63  }
0x14c: {  	_ =	swait.ge [sflag:s9], $0xD00  }
0x14d: {  	[sflag:s9] =	ssyncset.done $0x0  }
0x14e: {  	[sflag:s9] =	ssyncadd.s32 $0xFFFFF300  }
0x14f: {  	[tilespmem:s8], [sflag:$0x1] =	stream.indirect.gather [hbm4b:s4+s6], $0x10, s25, s6, $0xb8;
	[tilespmem:$0xDD00] =	vst v63  }
0x150: {  	s7 =	simm.s32 $0x1500  }
0x151: {  	[tilespmem:s7], [sflag:$0x1] =	stream.indirect.gather [hbm4b:s4+s6], $0x10, s6, s6, $0xb8;
	[tilespmem:$0xDD00] =	vst v63  }
0x152: {  	s26 =	simm.s32 $0x100;
	s2 =	simm.s32 $0x1D00  }
0x153: {  	[tilespmem:s2], [sflag:$0x1] =	stream.indirect.gather [hbm4b:s4+s6], $0x10, s26, s6, $0xb8;
	[tilespmem:$0xDD00] =	vst v63  }
0x154: {  	s5 =	simm.s32 $0x2500;
	s7 =	simm.s32 $0x180  }
0x155: {  	[tilespmem:s5], [sflag:$0x1] =	stream.indirect.gather [hbm4b:s4+s6], $0x10, s7, s6, $0xb8;
	[tilespmem:$0xDD00] =	vst v63  }
0x156: {  	s3 =	simm.s32 $0x200;
	s12 =	simm.s32 $0x2D00  }
0x157: {  	[tilespmem:s12], [sflag:$0x1] =	stream.indirect.gather [hbm4b:s4+s6], $0x10, s3, s6, $0xb8;
	[tilespmem:$0xDD00] =	vst v63  }
0x158: {  	s11 =	simm.s32 $0x3500;
	s12 =	simm.s32 $0x280  }
0x159: {  	[tilespmem:s11], [sflag:$0x1] =	stream.indirect.gather [hbm4b:s4+s6], $0x10, s12, s6, $0xb8;
	[tilespmem:$0xDD00] =	vst v63  }
0x15a: {  	s14 =	simm.s32 $0x3D00;
	s13 =	simm.s32 $0x300  }
0x15b: {  	[tilespmem:s14], [sflag:$0x1] =	stream.indirect.gather [hbm4b:s4+s6], $0x10, s13, s6, $0xb8;
	[tilespmem:$0xDD00] =	vst v63  }
0x15c: {  	s14 =	simm.s32 $0x380;
	s13 =	simm.s32 $0x4500  }
0x15d: {  	[tilespmem:s13], [sflag:$0x1] =	stream.indirect.gather [hbm4b:s4+s6], $0x10, s14, s6, $0xb8;
	[tilespmem:$0xDD00] =	vst v63  }
0x15e: {  	s16 =	simm.s32 $0x4D00;
	s15 =	simm.s32 $0x400  }
0x15f: {  	[tilespmem:s16], [sflag:$0x1] =	stream.indirect.gather [hbm4b:s4+s6], $0x10, s15, s6, $0xb8;
	[tilespmem:$0xDD00] =	vst v63  }
0x160: {  	s16 =	simm.s32 $0x480;
	s15 =	simm.s32 $0x5500  }
0x161: {  	[tilespmem:s15], [sflag:$0x1] =	stream.indirect.gather [hbm4b:s4+s6], $0x10, s16, s6, $0xb8;
	[tilespmem:$0xDD00] =	vst v63  }
0x162: {  	s18 =	simm.s32 $0x5D00;
	s17 =	simm.s32 $0x500  }
0x163: {  	[tilespmem:s18], [sflag:$0x1] =	stream.indirect.gather [hbm4b:s4+s6], $0x10, s17, s6, $0xb8;
	[tilespmem:$0xDD00] =	vst v63  }
0x164: {  	s18 =	simm.s32 $0x580;
	s17 =	simm.s32 $0x6500  }
0x165: {  	[tilespmem:s17], [sflag:$0x1] =	stream.indirect.gather [hbm4b:s4+s6], $0x10, s18, s6, $0xb8;
	[tilespmem:$0xDD00] =	vst v63  }
0x166: {  	s20 =	simm.s32 $0x6D00;
	s19 =	simm.s32 $0x600  }
0x167: {  	[tilespmem:s20], [sflag:$0x1] =	stream.indirect.gather [hbm4b:s4+s6], $0x10, s19, s6, $0xb8;
	[tilespmem:$0xDD00] =	vst v63  }
0x168: {  	s20 =	simm.s32 $0x680;
	s19 =	simm.s32 $0x7500  }
0x169: {  	[tilespmem:s19], [sflag:$0x1] =	stream.indirect.gather [hbm4b:s4+s6], $0x10, s20, s6, $0xb8;
	[tilespmem:$0xDD00] =	vst v63  }
0x16a: {  	s21 =	simm.s32 $0x700;
	s22 =	simm.s32 $0x7D00  }
0x16b: {  	[tilespmem:s22], [sflag:$0x1] =	stream.indirect.gather [hbm4b:s4+s6], $0x10, s21, s6, $0xb8;
	[tilespmem:$0xDD00] =	vst v63  }
0x16c: {  	s22 =	simm.s32 $0x780;
	s21 =	simm.s32 $0x8500  }
0x16d: {  	[tilespmem:s21], [sflag:$0x1] =	stream.indirect.gather [hbm4b:s4+s6], $0x10, s22, s6, $0xb8;
	[tilespmem:$0xDD00] =	vst v63  }
0x16e: {  	s23 =	simm.s32 $0x800;
	s24 =	simm.s32 $0x8D00  }
0x16f: {  	[tilespmem:s24], [sflag:$0x1] =	stream.indirect.gather [hbm4b:s4+s6], $0x10, s23, s6, $0xb8;
	[tilespmem:$0xDD00] =	vst v63  }
0x170: {  	s24 =	simm.s32 $0x880;
	s23 =	simm.s32 $0x9500  }
0x171: {  	[tilespmem:s23], [sflag:$0x1] =	stream.indirect.gather [hbm4b:s4+s6], $0x10, s24, s6, $0xb8;
	[tilespmem:$0xDD00] =	vst v63  }
0x172: {  	s30 =	simm.s32 $0x900;
	s31 =	simm.s32 $0x9D00  }
0x173: {  	[tilespmem:s31], [sflag:$0x1] =	stream.indirect.gather [hbm4b:s4+s6], $0x10, s30, s6, $0xb8;
	[tilespmem:$0xDD00] =	vst v63  }
0x174: {  	s28 =	simm.s32 $0x980;
	s29 =	simm.s32 $0xA500  }
0x175: {  	[tilespmem:s29], [sflag:$0x1] =	stream.indirect.gather [hbm4b:s4+s6], $0x10, s28, s6, $0xb8;
	[tilespmem:$0xDD00] =	vst v63  }
0x176: {  	s10 =	simm.s32 $0xA00;
	s26 =	simm.s32 $0xAD00  }
0x177: {  	[tilespmem:s26], [sflag:$0x1] =	stream.indirect.gather [hbm4b:s4+s6], $0x10, s10, s6, $0xb8;
	[tilespmem:$0xDD00] =	vst v63  }
0x178: {  	s31 =	simm.s32 $0xA80;
	s30 =	simm.s32 $0xB500  }
0x179: {  	[tilespmem:s30], [sflag:$0x1] =	stream.indirect.gather [hbm4b:s4+s6], $0x10, s31, s6, $0xb8;
	[tilespmem:$0xDD00] =	vst v63  }
0x17a: {  	s10 =	simm.s32 $0xBD00;
	s30 =	simm.s32 $0xB00  }
0x17b: {  	[tilespmem:s10], [sflag:$0x1] =	stream.indirect.gather [hbm4b:s4+s6], $0x10, s30, s6, $0xb8;
	[tilespmem:$0xDD00] =	vst v63  }
0x17c: {  	s29 =	simm.s32 $0xB80;
	s28 =	simm.s32 $0xC500  }
0x17d: {  	[tilespmem:s28], [sflag:$0x1] =	stream.indirect.gather [hbm4b:s4+s6], $0x10, s29, s6, $0xb8;
	[tilespmem:$0xDD00] =	vst v63  }
0x17e: {  	s10 =	simm.s32 $0xCD00;
	s28 =	simm.s32 $0xC00  }
0x17f: {  	[tilespmem:s10], [sflag:$0x1] =	stream.indirect.gather [hbm4b:s4+s6], $0x10, s28, s6, $0xb8;
	[tilespmem:$0xDD00] =	vst v63  }
0x180: {  	s1 =	simm.s32 $0xD500;
	s3 =	simm.s32 $0x1;
	s10 =	simm.s32 $0xC80  }
0x181: {  	[tilespmem:s1], [sflag:$0x1] =	stream.indirect.gather [hbm4b:s4+s6], $0x10, s10, s6, $0xb8;
	[tilespmem:$0xDD00] =	vst v63  }
0x182: {  	_ =	swait.ge [sflag:s3], $0xD000  }
0x183: {  	[sflag:s3] =	ssyncset.done $0x0  }
0x184: {  	s10 =	rddreg [dreg:$0x5];
	[sflag:s3] =	ssyncadd.s32 $0xFFFF3000  }
0x185: {  	[hbm4b:s10+s25] =	stream.linear.scatter [tilespmem:s8], [sflag:$0x2], $0xD000, $0x38;
	[tilespmem:$0xDD00] =	vst v63  }
0x186: {  	_ =	swait.ge [sflag:s9], $0xD000  }
0x187: {  	[sflag:s9] =	ssyncset.done $0x0  }
0x188: {  	s3 =	rddreg [dreg:$0x6];
	[sflag:s9] =	ssyncadd.s32 $0xFFFF3000  }
0x189: {  	[tilespmem:s25], [sflag:$0x2] =	stream.linear.gather [hbm4b:s3+s25], $0xD00, $0x38;
	[tilespmem:$0xDD00] =	vst v63  }
0x18a: {  	_ =	swait.ge [sflag:s9], $0xD00  }
0x18b: {  	[sflag:s9] =	ssyncset.done $0x0  }
0x18c: {  	[sflag:s9] =	ssyncadd.s32 $0xFFFFF300  }
0x18d: {  	[tilespmem:s8], [sflag:$0x1] =	stream.indirect.gather [hbm4b:s4+s6], $0x10, s25, s6, $0xb8;
	[tilespmem:$0xDD00] =	vst v63  }
0x18e: {  	s10 =	simm.s32 $0x1500  }
0x18f: {  	[tilespmem:s10], [sflag:$0x1] =	stream.indirect.gather [hbm4b:s4+s6], $0x10, s6, s6, $0xb8;
	[tilespmem:$0xDD00] =	vst v63  }
0x190: {  	s3 =	simm.s32 $0x100  }
0x191: {  	[tilespmem:s2], [sflag:$0x1] =	stream.indirect.gather [hbm4b:s4+s6], $0x10, s3, s6, $0xb8;
	[tilespmem:$0xDD00] =	vst v63  }
0x192: {  	_ = 	snop  }
0x193: {  	[tilespmem:s5], [sflag:$0x1] =	stream.indirect.gather [hbm4b:s4+s6], $0x10, s7, s6, $0xb8;
	[tilespmem:$0xDD00] =	vst v63  }
0x194: {  	s10 =	simm.s32 $0x2D00;
	s7 =	simm.s32 $0x200  }
0x195: {  	[tilespmem:s10], [sflag:$0x1] =	stream.indirect.gather [hbm4b:s4+s6], $0x10, s7, s6, $0xb8;
	[tilespmem:$0xDD00] =	vst v63  }
0x196: {  	_ = 	snop  }
0x197: {  	[tilespmem:s11], [sflag:$0x1] =	stream.indirect.gather [hbm4b:s4+s6], $0x10, s12, s6, $0xb8;
	[tilespmem:$0xDD00] =	vst v63  }
0x198: {  	s2 =	simm.s32 $0x300;
	s3 =	simm.s32 $0x3D00  }
0x199: {  	[tilespmem:s3], [sflag:$0x1] =	stream.indirect.gather [hbm4b:s4+s6], $0x10, s2, s6, $0xb8;
	[tilespmem:$0xDD00] =	vst v63  }
0x19a: {  	_ = 	snop  }
0x19b: {  	[tilespmem:s13], [sflag:$0x1] =	stream.indirect.gather [hbm4b:s4+s6], $0x10, s14, s6, $0xb8;
	[tilespmem:$0xDD00] =	vst v63  }
0x19c: {  	s7 =	simm.s32 $0x4D00;
	s10 =	simm.s32 $0x400  }
0x19d: {  	[tilespmem:s7], [sflag:$0x1] =	stream.indirect.gather [hbm4b:s4+s6], $0x10, s10, s6, $0xb8;
	[tilespmem:$0xDD00] =	vst v63  }
0x19e: {  	_ = 	snop  }
0x19f: {  	[tilespmem:s15], [sflag:$0x1] =	stream.indirect.gather [hbm4b:s4+s6], $0x10, s16, s6, $0xb8;
	[tilespmem:$0xDD00] =	vst v63  }
0x1a0: {  	s12 =	simm.s32 $0x5D00;
	s13 =	simm.s32 $0x500  }
0x1a1: {  	[tilespmem:s12], [sflag:$0x1] =	stream.indirect.gather [hbm4b:s4+s6], $0x10, s13, s6, $0xb8;
	[tilespmem:$0xDD00] =	vst v63  }
0x1a2: {  	_ = 	snop  }
0x1a3: {  	[tilespmem:s17], [sflag:$0x1] =	stream.indirect.gather [hbm4b:s4+s6], $0x10, s18, s6, $0xb8;
	[tilespmem:$0xDD00] =	vst v63  }
0x1a4: {  	s15 =	simm.s32 $0x6D00;
	s17 =	simm.s32 $0x600  }
0x1a5: {  	[tilespmem:s15], [sflag:$0x1] =	stream.indirect.gather [hbm4b:s4+s6], $0x10, s17, s6, $0xb8;
	[tilespmem:$0xDD00] =	vst v63  }
0x1a6: {  	_ = 	snop  }
0x1a7: {  	[tilespmem:s19], [sflag:$0x1] =	stream.indirect.gather [hbm4b:s4+s6], $0x10, s20, s6, $0xb8;
	[tilespmem:$0xDD00] =	vst v63  }
0x1a8: {  	s2 =	simm.s32 $0x7D00;
	s3 =	simm.s32 $0x700  }
0x1a9: {  	[tilespmem:s2], [sflag:$0x1] =	stream.indirect.gather [hbm4b:s4+s6], $0x10, s3, s6, $0xb8;
	[tilespmem:$0xDD00] =	vst v63  }
0x1aa: {  	_ = 	snop  }
0x1ab: {  	[tilespmem:s21], [sflag:$0x1] =	stream.indirect.gather [hbm4b:s4+s6], $0x10, s22, s6, $0xb8;
	[tilespmem:$0xDD00] =	vst v63  }
0x1ac: {  	s7 =	simm.s32 $0x8D00;
	s10 =	simm.s32 $0x800  }
0x1ad: {  	[tilespmem:s7], [sflag:$0x1] =	stream.indirect.gather [hbm4b:s4+s6], $0x10, s10, s6, $0xb8;
	[tilespmem:$0xDD00] =	vst v63  }
0x1ae: {  	_ = 	snop  }
0x1af: {  	[tilespmem:s23], [sflag:$0x1] =	stream.indirect.gather [hbm4b:s4+s6], $0x10, s24, s6, $0xb8;
	[tilespmem:$0xDD00] =	vst v63  }
0x1b0: {  	s12 =	simm.s32 $0x9D00;
	s13 =	simm.s32 $0x900  }
0x1b1: {  	[tilespmem:s12], [sflag:$0x1] =	stream.indirect.gather [hbm4b:s4+s6], $0x10, s13, s6, $0xb8;
	[tilespmem:$0xDD00] =	vst v63  }
0x1b2: {  	s3 =	simm.s32 $0xA500;
	s7 =	simm.s32 $0x980  }
0x1b3: {  	[tilespmem:s3], [sflag:$0x1] =	stream.indirect.gather [hbm4b:s4+s6], $0x10, s7, s6, $0xb8;
	[tilespmem:$0xDD00] =	vst v63  }
0x1b4: {  	s10 =	simm.s32 $0xA00  }
0x1b5: {  	[tilespmem:s26], [sflag:$0x1] =	stream.indirect.gather [hbm4b:s4+s6], $0x10, s10, s6, $0xb8;
	[tilespmem:$0xDD00] =	vst v63  }
0x1b6: {  	s26 =	simm.s32 $0xB500  }
0x1b7: {  	[tilespmem:s26], [sflag:$0x1] =	stream.indirect.gather [hbm4b:s4+s6], $0x10, s31, s6, $0xb8;
	[tilespmem:$0xDD00] =	vst v63  }
0x1b8: {  	s2 =	simm.s32 $0xBD00  }
0x1b9: {  	[tilespmem:s2], [sflag:$0x1] =	stream.indirect.gather [hbm4b:s4+s6], $0x10, s30, s6, $0xb8;
	[tilespmem:$0xDD00] =	vst v63  }
0x1ba: {  	s7 =	simm.s32 $0xC500  }
0x1bb: {  	[tilespmem:s7], [sflag:$0x1] =	stream.indirect.gather [hbm4b:s4+s6], $0x10, s29, s6, $0xb8;
	[tilespmem:$0xDD00] =	vst v63  }
0x1bc: {  	s26 =	simm.s32 $0xCD00  }
0x1bd: {  	[tilespmem:s26], [sflag:$0x1] =	stream.indirect.gather [hbm4b:s4+s6], $0x10, s28, s6, $0xb8;
	[tilespmem:$0xDD00] =	vst v63  }
0x1be: {  	s11 =	simm.s32 $0x1;
	s2 =	simm.s32 $0xC80;
	s26 =	simm.s32 $0xD500  }
0x1bf: {  	[tilespmem:s26], [sflag:$0x1] =	stream.indirect.gather [hbm4b:s4+s6], $0x10, s2, s6, $0xb8;
	[tilespmem:$0xDD00] =	vst v63  }
0x1c0: {  	_ =	swait.ge [sflag:s11], $0xD000  }
0x1c1: {  	[sflag:s11] =	ssyncset.done $0x0  }
0x1c2: {  	s2 =	rddreg [dreg:$0x7];
	[sflag:s11] =	ssyncadd.s32 $0xFFFF3000  }
0x1c3: {  	[hbm4b:s2+s25] =	stream.linear.scatter [tilespmem:s8], [sflag:$0x2], $0xD000, $0x38;
	[tilespmem:$0xDD00] =	vst v63  }
0x1c4: {  	_ =	swait.ge [sflag:s9], $0xD000  }
0x1c5: {  	[sflag:s9] =	ssyncset.done $0x0  }
0x1c6: {  	s2 =	rddreg [dreg:$0x8];
	[sflag:s9] =	ssyncadd.s32 $0xFFFF3000  }
0x1c7: {  	[tilespmem:s25], [sflag:$0x2] =	stream.linear.gather [hbm4b:s2+s25], $0xD00, $0x38;
	[tilespmem:$0xDD00] =	vst v63  }
0x1c8: {  	_ =	swait.ge [sflag:s9], $0xD00  }
0x1c9: {  	[sflag:s9] =	ssyncset.done $0x0  }
0x1ca: {  	[sflag:s9] =	ssyncadd.s32 $0xFFFFF300  }
0x1cb: {  	[tilespmem:s8], [sflag:$0x1] =	stream.indirect.gather [hbm4b:s4+s6], $0x10, s25, s6, $0xb8;
	[tilespmem:$0xDD00] =	vst v63  }
0x1cc: {  	s8 =	simm.s32 $0x1500  }
0x1cd: {  	[tilespmem:s8], [sflag:$0x1] =	stream.indirect.gather [hbm4b:s4+s6], $0x10, s6, s6, $0xb8;
	[tilespmem:$0xDD00] =	vst v63  }
0x1ce: {  	s1 =	simm.s32 $0x100;
	s8 =	simm.s32 $0x1D00  }
0x1cf: {  	[tilespmem:s8], [sflag:$0x1] =	stream.indirect.gather [hbm4b:s4+s6], $0x10, s1, s6, $0xb8;
	[tilespmem:$0xDD00] =	vst v63  }
0x1d0: {  	s1 =	simm.s32 $0x2500;
	s8 =	simm.s32 $0x180  }
0x1d1: {  	[tilespmem:s1], [sflag:$0x1] =	stream.indirect.gather [hbm4b:s4+s6], $0x10, s8, s6, $0xb8;
	[tilespmem:$0xDD00] =	vst v63  }
0x1d2: {  	s1 =	simm.s32 $0x2D00;
	s8 =	simm.s32 $0x200  }
0x1d3: {  	[tilespmem:s1], [sflag:$0x1] =	stream.indirect.gather [hbm4b:s4+s6], $0x10, s8, s6, $0xb8;
	[tilespmem:$0xDD00] =	vst v63  }
0x1d4: {  	s5 =	simm.s32 $0x280;
	s8 =	simm.s32 $0x3500  }
0x1d5: {  	[tilespmem:s8], [sflag:$0x1] =	stream.indirect.gather [hbm4b:s4+s6], $0x10, s5, s6, $0xb8;
	[tilespmem:$0xDD00] =	vst v63  }
0x1d6: {  	s5 =	simm.s32 $0x3D00;
	s8 =	simm.s32 $0x300  }
0x1d7: {  	[tilespmem:s5], [sflag:$0x1] =	stream.indirect.gather [hbm4b:s4+s6], $0x10, s8, s6, $0xb8;
	[tilespmem:$0xDD00] =	vst v63  }
0x1d8: {  	s14 =	simm.s32 $0x380;
	s5 =	simm.s32 $0x4500  }
0x1d9: {  	[tilespmem:s5], [sflag:$0x1] =	stream.indirect.gather [hbm4b:s4+s6], $0x10, s14, s6, $0xb8;
	[tilespmem:$0xDD00] =	vst v63  }
0x1da: {  	s8 =	simm.s32 $0x400;
	s14 =	simm.s32 $0x4D00  }
0x1db: {  	[tilespmem:s14], [sflag:$0x1] =	stream.indirect.gather [hbm4b:s4+s6], $0x10, s8, s6, $0xb8;
	[tilespmem:$0xDD00] =	vst v63  }
0x1dc: {  	s16 =	simm.s32 $0x480;
	s8 =	simm.s32 $0x5500  }
0x1dd: {  	[tilespmem:s8], [sflag:$0x1] =	stream.indirect.gather [hbm4b:s4+s6], $0x10, s16, s6, $0xb8;
	[tilespmem:$0xDD00] =	vst v63  }
0x1de: {  	s14 =	simm.s32 $0x500;
	s16 =	simm.s32 $0x5D00  }
0x1df: {  	[tilespmem:s16], [sflag:$0x1] =	stream.indirect.gather [hbm4b:s4+s6], $0x10, s14, s6, $0xb8;
	[tilespmem:$0xDD00] =	vst v63  }
0x1e0: {  	s18 =	simm.s32 $0x580;
	s8 =	simm.s32 $0x6500  }
0x1e1: {  	[tilespmem:s8], [sflag:$0x1] =	stream.indirect.gather [hbm4b:s4+s6], $0x10, s18, s6, $0xb8;
	[tilespmem:$0xDD00] =	vst v63  }
0x1e2: {  	s14 =	simm.s32 $0x600;
	s16 =	simm.s32 $0x6D00  }
0x1e3: {  	[tilespmem:s16], [sflag:$0x1] =	stream.indirect.gather [hbm4b:s4+s6], $0x10, s14, s6, $0xb8;
	[tilespmem:$0xDD00] =	vst v63  }
0x1e4: {  	s19 =	simm.s32 $0x7500;
	s20 =	simm.s32 $0x680  }
0x1e5: {  	[tilespmem:s19], [sflag:$0x1] =	stream.indirect.gather [hbm4b:s4+s6], $0x10, s20, s6, $0xb8;
	[tilespmem:$0xDD00] =	vst v63  }
0x1e6: {  	s17 =	simm.s32 $0x7D00;
	s18 =	simm.s32 $0x700  }
0x1e7: {  	[tilespmem:s17], [sflag:$0x1] =	stream.indirect.gather [hbm4b:s4+s6], $0x10, s18, s6, $0xb8;
	[tilespmem:$0xDD00] =	vst v63  }
0x1e8: {  	s21 =	simm.s32 $0x8500;
	s22 =	simm.s32 $0x780  }
0x1e9: {  	[tilespmem:s21], [sflag:$0x1] =	stream.indirect.gather [hbm4b:s4+s6], $0x10, s22, s6, $0xb8;
	[tilespmem:$0xDD00] =	vst v63  }
0x1ea: {  	s15 =	simm.s32 $0x8D00;
	s19 =	simm.s32 $0x800  }
0x1eb: {  	[tilespmem:s15], [sflag:$0x1] =	stream.indirect.gather [hbm4b:s4+s6], $0x10, s19, s6, $0xb8;
	[tilespmem:$0xDD00] =	vst v63  }
0x1ec: {  	s23 =	simm.s32 $0x9500;
	s24 =	simm.s32 $0x880  }
0x1ed: {  	[tilespmem:s23], [sflag:$0x1] =	stream.indirect.gather [hbm4b:s4+s6], $0x10, s24, s6, $0xb8;
	[tilespmem:$0xDD00] =	vst v63  }
0x1ee: {  	s13 =	simm.s32 $0x9D00;
	s20 =	simm.s32 $0x900  }
0x1ef: {  	[tilespmem:s13], [sflag:$0x1] =	stream.indirect.gather [hbm4b:s4+s6], $0x10, s20, s6, $0xb8;
	[tilespmem:$0xDD00] =	vst v63  }
0x1f0: {  	s12 =	simm.s32 $0xA500;
	s21 =	simm.s32 $0x980  }
0x1f1: {  	[tilespmem:s12], [sflag:$0x1] =	stream.indirect.gather [hbm4b:s4+s6], $0x10, s21, s6, $0xb8;
	[tilespmem:$0xDD00] =	vst v63  }
0x1f2: {  	s3 =	simm.s32 $0xAD00;
	s22 =	simm.s32 $0xA00  }
0x1f3: {  	[tilespmem:s3], [sflag:$0x1] =	stream.indirect.gather [hbm4b:s4+s6], $0x10, s22, s6, $0xb8;
	[tilespmem:$0xDD00] =	vst v63  }
0x1f4: {  	s31 =	simm.s32 $0xA80;
	s23 =	simm.s32 $0xB500  }
0x1f5: {  	[tilespmem:s23], [sflag:$0x1] =	stream.indirect.gather [hbm4b:s4+s6], $0x10, s31, s6, $0xb8;
	[tilespmem:$0xDD00] =	vst v63  }
0x1f6: {  	s10 =	simm.s32 $0xBD00;
	s30 =	simm.s32 $0xB00  }
0x1f7: {  	[tilespmem:s10], [sflag:$0x1] =	stream.indirect.gather [hbm4b:s4+s6], $0x10, s30, s6, $0xb8;
	[tilespmem:$0xDD00] =	vst v63  }
0x1f8: {  	s29 =	simm.s32 $0xB80;
	s24 =	simm.s32 $0xC500  }
0x1f9: {  	[tilespmem:s24], [sflag:$0x1] =	stream.indirect.gather [hbm4b:s4+s6], $0x10, s29, s6, $0xb8;
	[tilespmem:$0xDD00] =	vst v63  }
0x1fa: {  	s7 =	simm.s32 $0xCD00;
	s28 =	simm.s32 $0xC00  }
0x1fb: {  	[tilespmem:s7], [sflag:$0x1] =	stream.indirect.gather [hbm4b:s4+s6], $0x10, s28, s6, $0xb8;
	[tilespmem:$0xDD00] =	vst v63  }
0x1fc: {  	s26 =	simm.s32 $0xC80;
	s30 =	simm.s32 $0xD500  }
0x1fd: {  	[tilespmem:s30], [sflag:$0x1] =	stream.indirect.gather [hbm4b:s4+s6], $0x10, s26, s6, $0xb8;
	[tilespmem:$0xDD00] =	vst v63  }
0x1fe: {  	p1 =	sne.s32 s0, $0x1;
	_ =	swait.ge [sflag:s11], $0xD000  }
.Ltmp2:
0x1ff: {  	s2 =	simm.s32 $0x0;
	[sflag:s11] =	ssyncset.done $0x0;
	(pc) =	sbr.rel @p1 .LBB2_4-.Ltmp2, $4  }
0x200: {  	s5 =	simm.s32 $0xD00;
	s31 =	rddreg [dreg:$0x9];
	[sflag:s11] =	ssyncadd.s32 $0xFFFF3000  }
0x201: {  	[hbm4b:s31+s2] =	stream.linear.scatter [tilespmem:s5], [sflag:$0x2], $0xD000, $0x38;
	[tilespmem:$0xDD00] =	vst v63  }
0x202: {  	_ =	swait.ge [sflag:s9], $0xD000  }
0x203: {  	s0 =	sadd.s32 $0xFFFFFFFF, s0;
	s1 =	rddreg [dreg:$0x3];
	[sflag:s9] =	ssyncset.done $0x0  }
0x204: {  	s0 =	rddreg [dreg:$0xa]  }
.LBB2_6:
0x205: {  	[sflag:s9] =	ssyncadd.s32 @p0 $0xFFFF3000  }
0x206: {  	[tilespmem:s2], [sflag:$0x2] =	stream.linear.gather [hbm4b:s1+s2], $0xD00, $0x38;
	[tilespmem:$0xDD00] =	vst v63  }
0x207: {  	_ =	swait.ge [sflag:s9], $0xD00  }
0x208: {  	[sflag:s9] =	ssyncset.done $0x0  }
0x209: {  	[sflag:s9] =	ssyncadd.s32 $0xFFFFF300  }
0x20a: {  	[tilespmem:s5], [sflag:$0x1] =	stream.indirect.gather [hbm4b:s4+s6], $0x10, s2, s6, $0xb8;
	[tilespmem:$0xDD00] =	vst v63  }
0x20b: {  	s30 =	simm.s32 $0x1500  }
0x20c: {  	[tilespmem:s30], [sflag:$0x1] =	stream.indirect.gather [hbm4b:s4+s6], $0x10, s6, s6, $0xb8;
	[tilespmem:$0xDD00] =	vst v63  }
0x20d: {  	s31 =	simm.s32 $0x100;
	s3 =	simm.s32 $0x1D00  }
0x20e: {  	[tilespmem:s3], [sflag:$0x1] =	stream.indirect.gather [hbm4b:s4+s6], $0x10, s31, s6, $0xb8;
	[tilespmem:$0xDD00] =	vst v63  }
0x20f: {  	s7 =	simm.s32 $0x2500;
	s3 =	simm.s32 $0x180  }
0x210: {  	[tilespmem:s7], [sflag:$0x1] =	stream.indirect.gather [hbm4b:s4+s6], $0x10, s3, s6, $0xb8;
	[tilespmem:$0xDD00] =	vst v63  }
0x211: {  	s8 =	simm.s32 $0x200;
	s10 =	simm.s32 $0x2D00  }
0x212: {  	[tilespmem:s10], [sflag:$0x1] =	stream.indirect.gather [hbm4b:s4+s6], $0x10, s8, s6, $0xb8;
	[tilespmem:$0xDD00] =	vst v63  }
0x213: {  	s12 =	simm.s32 $0x280;
	s13 =	simm.s32 $0x3500  }
0x214: {  	[tilespmem:s13], [sflag:$0x1] =	stream.indirect.gather [hbm4b:s4+s6], $0x10, s12, s6, $0xb8;
	[tilespmem:$0xDD00] =	vst v63  }
0x215: {  	s14 =	simm.s32 $0x300;
	s15 =	simm.s32 $0x3D00  }
0x216: {  	[tilespmem:s15], [sflag:$0x1] =	stream.indirect.gather [hbm4b:s4+s6], $0x10, s14, s6, $0xb8;
	[tilespmem:$0xDD00] =	vst v63  }
0x217: {  	s16 =	simm.s32 $0x380;
	s17 =	simm.s32 $0x4500  }
0x218: {  	[tilespmem:s17], [sflag:$0x1] =	stream.indirect.gather [hbm4b:s4+s6], $0x10, s16, s6, $0xb8;
	[tilespmem:$0xDD00] =	vst v63  }
0x219: {  	s18 =	simm.s32 $0x400;
	s19 =	simm.s32 $0x4D00  }
0x21a: {  	[tilespmem:s19], [sflag:$0x1] =	stream.indirect.gather [hbm4b:s4+s6], $0x10, s18, s6, $0xb8;
	[tilespmem:$0xDD00] =	vst v63  }
0x21b: {  	s20 =	simm.s32 $0x480;
	s22 =	simm.s32 $0x5500  }
0x21c: {  	[tilespmem:s22], [sflag:$0x1] =	stream.indirect.gather [hbm4b:s4+s6], $0x10, s20, s6, $0xb8;
	[tilespmem:$0xDD00] =	vst v63  }
0x21d: {  	s24 =	simm.s32 $0x500;
	s25 =	simm.s32 $0x5D00  }
0x21e: {  	[tilespmem:s25], [sflag:$0x1] =	stream.indirect.gather [hbm4b:s4+s6], $0x10, s24, s6, $0xb8;
	[tilespmem:$0xDD00] =	vst v63  }
0x21f: {  	s26 =	simm.s32 $0x580;
	s28 =	simm.s32 $0x6500  }
0x220: {  	[tilespmem:s28], [sflag:$0x1] =	stream.indirect.gather [hbm4b:s4+s6], $0x10, s26, s6, $0xb8;
	[tilespmem:$0xDD00] =	vst v63  }
0x221: {  	s29 =	simm.s32 $0x600;
	s30 =	simm.s32 $0x6D00  }
0x222: {  	[tilespmem:s30], [sflag:$0x1] =	stream.indirect.gather [hbm4b:s4+s6], $0x10, s29, s6, $0xb8;
	[tilespmem:$0xDD00] =	vst v63  }
0x223: {  	s12 =	simm.s32 $0x680;
	s13 =	simm.s32 $0x7500  }
0x224: {  	[tilespmem:s13], [sflag:$0x1] =	stream.indirect.gather [hbm4b:s4+s6], $0x10, s12, s6, $0xb8;
	[tilespmem:$0xDD00] =	vst v63  }
0x225: {  	s15 =	simm.s32 $0x700;
	s16 =	simm.s32 $0x7D00  }
0x226: {  	[tilespmem:s16], [sflag:$0x1] =	stream.indirect.gather [hbm4b:s4+s6], $0x10, s15, s6, $0xb8;
	[tilespmem:$0xDD00] =	vst v63  }
0x227: {  	s17 =	simm.s32 $0x780;
	s18 =	simm.s32 $0x8500  }
0x228: {  	[tilespmem:s18], [sflag:$0x1] =	stream.indirect.gather [hbm4b:s4+s6], $0x10, s17, s6, $0xb8;
	[tilespmem:$0xDD00] =	vst v63  }
0x229: {  	s19 =	simm.s32 $0x800;
	s25 =	simm.s32 $0x8D00  }
0x22a: {  	[tilespmem:s25], [sflag:$0x1] =	stream.indirect.gather [hbm4b:s4+s6], $0x10, s19, s6, $0xb8;
	[tilespmem:$0xDD00] =	vst v63  }
0x22b: {  	s26 =	simm.s32 $0x880;
	s29 =	simm.s32 $0x9500  }
0x22c: {  	[tilespmem:s29], [sflag:$0x1] =	stream.indirect.gather [hbm4b:s4+s6], $0x10, s26, s6, $0xb8;
	[tilespmem:$0xDD00] =	vst v63  }
0x22d: {  	s12 =	simm.s32 $0x900;
	s13 =	simm.s32 $0x9D00  }
0x22e: {  	[tilespmem:s13], [sflag:$0x1] =	stream.indirect.gather [hbm4b:s4+s6], $0x10, s12, s6, $0xb8;
	[tilespmem:$0xDD00] =	vst v63  }
0x22f: {  	s15 =	simm.s32 $0x980;
	s16 =	simm.s32 $0xA500  }
0x230: {  	[tilespmem:s16], [sflag:$0x1] =	stream.indirect.gather [hbm4b:s4+s6], $0x10, s15, s6, $0xb8;
	[tilespmem:$0xDD00] =	vst v63  }
0x231: {  	s17 =	simm.s32 $0xA00;
	s19 =	simm.s32 $0xAD00  }
0x232: {  	[tilespmem:s19], [sflag:$0x1] =	stream.indirect.gather [hbm4b:s4+s6], $0x10, s17, s6, $0xb8;
	[tilespmem:$0xDD00] =	vst v63  }
0x233: {  	s25 =	simm.s32 $0xA80;
	s26 =	simm.s32 $0xB500  }
0x234: {  	[tilespmem:s26], [sflag:$0x1] =	stream.indirect.gather [hbm4b:s4+s6], $0x10, s25, s6, $0xb8;
	[tilespmem:$0xDD00] =	vst v63  }
0x235: {  	s3 =	simm.s32 $0xB00;
	s12 =	simm.s32 $0xBD00  }
0x236: {  	[tilespmem:s12], [sflag:$0x1] =	stream.indirect.gather [hbm4b:s4+s6], $0x10, s3, s6, $0xb8;
	[tilespmem:$0xDD00] =	vst v63  }
0x237: {  	s13 =	simm.s32 $0xB80;
	s15 =	simm.s32 $0xC500  }
0x238: {  	[tilespmem:s15], [sflag:$0x1] =	stream.indirect.gather [hbm4b:s4+s6], $0x10, s13, s6, $0xb8;
	[tilespmem:$0xDD00] =	vst v63  }
0x239: {  	s16 =	simm.s32 $0xC00;
	s15 =	simm.s32 $0xCD00  }
0x23a: {  	[tilespmem:s15], [sflag:$0x1] =	stream.indirect.gather [hbm4b:s4+s6], $0x10, s16, s6, $0xb8;
	[tilespmem:$0xDD00] =	vst v63  }
0x23b: {  	s25 =	simm.s32 $0xC80;
	s13 =	simm.s32 $0xD500  }
0x23c: {  	[tilespmem:s13], [sflag:$0x1] =	stream.indirect.gather [hbm4b:s4+s6], $0x10, s25, s6, $0xb8;
	[tilespmem:$0xDD00] =	vst v63  }
0x23d: {  	_ =	swait.ge [sflag:s11], $0xD000  }
0x23e: {  	[sflag:s11] =	ssyncset.done $0x0  }
0x23f: {  	[sflag:s11] =	ssyncadd.s32 $0xFFFF3000  }
0x240: {  	[hbm4b:s0+s2] =	stream.linear.scatter [tilespmem:s5], [sflag:$0x2], $0xD000, $0x38;
	[tilespmem:$0xDD00] =	vst v63  }
0x241: {  	_ =	swait.ge [sflag:s9], $0xD000  }
0x242: {  	[sflag:s9] =	ssyncset.done $0x0  }
0x243: {  	s17 =	rddreg [dreg:$0x4];
	[sflag:s9] =	ssyncadd.s32 $0xFFFF3000  }
0x244: {  	[tilespmem:s2], [sflag:$0x2] =	stream.linear.gather [hbm4b:s17+s2], $0xD00, $0x38;
	[tilespmem:$0xDD00] =	vst v63  }
0x245: {  	_ =	swait.ge [sflag:s9], $0xD00  }
0x246: {  	[sflag:s9] =	ssyncset.done $0x0  }
0x247: {  	[sflag:s9] =	ssyncadd.s32 $0xFFFFF300  }
0x248: {  	[tilespmem:s5], [sflag:$0x1] =	stream.indirect.gather [hbm4b:s4+s6], $0x10, s2, s6, $0xb8;
	[tilespmem:$0xDD00] =	vst v63  }
0x249: {  	s1 =	simm.s32 $0x1500  }
0x24a: {  	[tilespmem:s1], [sflag:$0x1] =	stream.indirect.gather [hbm4b:s4+s6], $0x10, s6, s6, $0xb8;
	[tilespmem:$0xDD00] =	vst v63  }
0x24b: {  	s3 =	simm.s32 $0x100;
	s12 =	simm.s32 $0x1D00  }
0x24c: {  	[tilespmem:s12], [sflag:$0x1] =	stream.indirect.gather [hbm4b:s4+s6], $0x10, s3, s6, $0xb8;
	[tilespmem:$0xDD00] =	vst v63  }
0x24d: {  	s19 =	simm.s32 $0x180;
	s26 =	simm.s32 $0x2500  }
0x24e: {  	[tilespmem:s26], [sflag:$0x1] =	stream.indirect.gather [hbm4b:s4+s6], $0x10, s19, s6, $0xb8;
	[tilespmem:$0xDD00] =	vst v63  }
0x24f: {  	s7 =	simm.s32 $0x200;
	s8 =	simm.s32 $0x2D00  }
0x250: {  	[tilespmem:s8], [sflag:$0x1] =	stream.indirect.gather [hbm4b:s4+s6], $0x10, s7, s6, $0xb8;
	[tilespmem:$0xDD00] =	vst v63  }
0x251: {  	s21 =	simm.s32 $0x280;
	s16 =	simm.s32 $0x3500  }
0x252: {  	[tilespmem:s16], [sflag:$0x1] =	stream.indirect.gather [hbm4b:s4+s6], $0x10, s21, s6, $0xb8;
	[tilespmem:$0xDD00] =	vst v63  }
0x253: {  	s14 =	simm.s32 $0x3D00;
	s17 =	simm.s32 $0x300  }
0x254: {  	[tilespmem:s14], [sflag:$0x1] =	stream.indirect.gather [hbm4b:s4+s6], $0x10, s17, s6, $0xb8;
	[tilespmem:$0xDD00] =	vst v63  }
0x255: {  	s23 =	simm.s32 $0x4500;
	s19 =	simm.s32 $0x380  }
0x256: {  	[tilespmem:s23], [sflag:$0x1] =	stream.indirect.gather [hbm4b:s4+s6], $0x10, s19, s6, $0xb8;
	[tilespmem:$0xDD00] =	vst v63  }
0x257: {  	s31 =	simm.s32 $0x4D00;
	s21 =	simm.s32 $0x400  }
0x258: {  	[tilespmem:s31], [sflag:$0x1] =	stream.indirect.gather [hbm4b:s4+s6], $0x10, s21, s6, $0xb8;
	[tilespmem:$0xDD00] =	vst v63  }
0x259: {  	s14 =	simm.s32 $0x5500;
	s23 =	simm.s32 $0x480  }
0x25a: {  	[tilespmem:s14], [sflag:$0x1] =	stream.indirect.gather [hbm4b:s4+s6], $0x10, s23, s6, $0xb8;
	[tilespmem:$0xDD00] =	vst v63  }
0x25b: {  	s24 =	simm.s32 $0x500;
	s31 =	simm.s32 $0x5D00  }
0x25c: {  	[tilespmem:s31], [sflag:$0x1] =	stream.indirect.gather [hbm4b:s4+s6], $0x10, s24, s6, $0xb8;
	[tilespmem:$0xDD00] =	vst v63  }
0x25d: {  	s10 =	simm.s32 $0x6500;
	s8 =	simm.s32 $0x580  }
0x25e: {  	[tilespmem:s10], [sflag:$0x1] =	stream.indirect.gather [hbm4b:s4+s6], $0x10, s8, s6, $0xb8;
	[tilespmem:$0xDD00] =	vst v63  }
0x25f: {  	s24 =	simm.s32 $0x600;
	s10 =	simm.s32 $0x6D00  }
0x260: {  	[tilespmem:s10], [sflag:$0x1] =	stream.indirect.gather [hbm4b:s4+s6], $0x10, s24, s6, $0xb8;
	[tilespmem:$0xDD00] =	vst v63  }
0x261: {  	s22 =	simm.s32 $0x680;
	s8 =	simm.s32 $0x7500  }
0x262: {  	[tilespmem:s8], [sflag:$0x1] =	stream.indirect.gather [hbm4b:s4+s6], $0x10, s22, s6, $0xb8;
	[tilespmem:$0xDD00] =	vst v63  }
0x263: {  	s30 =	simm.s32 $0x700;
	s22 =	simm.s32 $0x7D00  }
0x264: {  	[tilespmem:s22], [sflag:$0x1] =	stream.indirect.gather [hbm4b:s4+s6], $0x10, s30, s6, $0xb8;
	[tilespmem:$0xDD00] =	vst v63  }
0x265: {  	s20 =	simm.s32 $0x8500;
	s7 =	simm.s32 $0x780  }
0x266: {  	[tilespmem:s20], [sflag:$0x1] =	stream.indirect.gather [hbm4b:s4+s6], $0x10, s7, s6, $0xb8;
	[tilespmem:$0xDD00] =	vst v63  }
0x267: {  	s28 =	simm.s32 $0x8D00;
	s30 =	simm.s32 $0x800  }
0x268: {  	[tilespmem:s28], [sflag:$0x1] =	stream.indirect.gather [hbm4b:s4+s6], $0x10, s30, s6, $0xb8;
	[tilespmem:$0xDD00] =	vst v63  }
0x269: {  	s18 =	simm.s32 $0x9500;
	s28 =	simm.s32 $0x880  }
0x26a: {  	[tilespmem:s18], [sflag:$0x1] =	stream.indirect.gather [hbm4b:s4+s6], $0x10, s28, s6, $0xb8;
	[tilespmem:$0xDD00] =	vst v63  }
0x26b: {  	s29 =	simm.s32 $0x9D00;
	s18 =	simm.s32 $0x900  }
0x26c: {  	[tilespmem:s29], [sflag:$0x1] =	stream.indirect.gather [hbm4b:s4+s6], $0x10, s18, s6, $0xb8;
	[tilespmem:$0xDD00] =	vst v63  }
0x26d: {  	s28 =	simm.s32 $0xA500;
	s29 =	simm.s32 $0x980  }
0x26e: {  	[tilespmem:s28], [sflag:$0x1] =	stream.indirect.gather [hbm4b:s4+s6], $0x10, s29, s6, $0xb8;
	[tilespmem:$0xDD00] =	vst v63  }
0x26f: {  	s22 =	simm.s32 $0xA00;
	s20 =	simm.s32 $0xAD00  }
0x270: {  	[tilespmem:s20], [sflag:$0x1] =	stream.indirect.gather [hbm4b:s4+s6], $0x10, s22, s6, $0xb8;
	[tilespmem:$0xDD00] =	vst v63  }
0x271: {  	s18 =	simm.s32 $0xB500;
	s20 =	simm.s32 $0xA80  }
0x272: {  	[tilespmem:s18], [sflag:$0x1] =	stream.indirect.gather [hbm4b:s4+s6], $0x10, s20, s6, $0xb8;
	[tilespmem:$0xDD00] =	vst v63  }
0x273: {  	s22 =	simm.s32 $0xB00;
	s20 =	simm.s32 $0xBD00  }
0x274: {  	[tilespmem:s20], [sflag:$0x1] =	stream.indirect.gather [hbm4b:s4+s6], $0x10, s22, s6, $0xb8;
	[tilespmem:$0xDD00] =	vst v63  }
0x275: {  	s0 =	simm.s32 $0xB80;
	s22 =	simm.s32 $0xC500  }
0x276: {  	[tilespmem:s22], [sflag:$0x1] =	stream.indirect.gather [hbm4b:s4+s6], $0x10, s0, s6, $0xb8;
	[tilespmem:$0xDD00] =	vst v63  }
0x277: {  	s0 =	simm.s32 $0xC00  }
0x278: {  	[tilespmem:s15], [sflag:$0x1] =	stream.indirect.gather [hbm4b:s4+s6], $0x10, s0, s6, $0xb8;
	[tilespmem:$0xDD00] =	vst v63  }
0x279: {  	_ = 	snop  }
0x27a: {  	[tilespmem:s13], [sflag:$0x1] =	stream.indirect.gather [hbm4b:s4+s6], $0x10, s25, s6, $0xb8;
	[tilespmem:$0xDD00] =	vst v63  }
0x27b: {  	_ =	swait.ge [sflag:s11], $0xD000  }
0x27c: {  	[sflag:s11] =	ssyncset.done $0x0  }
0x27d: {  	s0 =	rddreg [dreg:$0x5];
	[sflag:s11] =	ssyncadd.s32 $0xFFFF3000  }
0x27e: {  	[hbm4b:s0+s2] =	stream.linear.scatter [tilespmem:s5], [sflag:$0x2], $0xD000, $0x38;
	[tilespmem:$0xDD00] =	vst v63  }
0x27f: {  	_ =	swait.ge [sflag:s9], $0xD000  }
0x280: {  	[sflag:s9] =	ssyncset.done $0x0  }
0x281: {  	s0 =	rddreg [dreg:$0x6];
	[sflag:s9] =	ssyncadd.s32 $0xFFFF3000  }
0x282: {  	[tilespmem:s2], [sflag:$0x2] =	stream.linear.gather [hbm4b:s0+s2], $0xD00, $0x38;
	[tilespmem:$0xDD00] =	vst v63  }
0x283: {  	_ =	swait.ge [sflag:s9], $0xD00  }
0x284: {  	[sflag:s9] =	ssyncset.done $0x0  }
0x285: {  	[sflag:s9] =	ssyncadd.s32 $0xFFFFF300  }
0x286: {  	[tilespmem:s5], [sflag:$0x1] =	stream.indirect.gather [hbm4b:s4+s6], $0x10, s2, s6, $0xb8;
	[tilespmem:$0xDD00] =	vst v63  }
0x287: {  	_ = 	snop  }
0x288: {  	[tilespmem:s1], [sflag:$0x1] =	stream.indirect.gather [hbm4b:s4+s6], $0x10, s6, s6, $0xb8;
	[tilespmem:$0xDD00] =	vst v63  }
0x289: {  	_ = 	snop  }
0x28a: {  	[tilespmem:s12], [sflag:$0x1] =	stream.indirect.gather [hbm4b:s4+s6], $0x10, s3, s6, $0xb8;
	[tilespmem:$0xDD00] =	vst v63  }
0x28b: {  	s3 =	simm.s32 $0x180  }
0x28c: {  	[tilespmem:s26], [sflag:$0x1] =	stream.indirect.gather [hbm4b:s4+s6], $0x10, s3, s6, $0xb8;
	[tilespmem:$0xDD00] =	vst v63  }
0x28d: {  	s12 =	simm.s32 $0x2D00;
	s26 =	simm.s32 $0x200  }
0x28e: {  	[tilespmem:s12], [sflag:$0x1] =	stream.indirect.gather [hbm4b:s4+s6], $0x10, s26, s6, $0xb8;
	[tilespmem:$0xDD00] =	vst v63  }
0x28f: {  	s1 =	simm.s32 $0x280  }
0x290: {  	[tilespmem:s16], [sflag:$0x1] =	stream.indirect.gather [hbm4b:s4+s6], $0x10, s1, s6, $0xb8;
	[tilespmem:$0xDD00] =	vst v63  }
0x291: {  	s3 =	simm.s32 $0x3D00  }
0x292: {  	[tilespmem:s3], [sflag:$0x1] =	stream.indirect.gather [hbm4b:s4+s6], $0x10, s17, s6, $0xb8;
	[tilespmem:$0xDD00] =	vst v63  }
0x293: {  	s12 =	simm.s32 $0x4500  }
0x294: {  	[tilespmem:s12], [sflag:$0x1] =	stream.indirect.gather [hbm4b:s4+s6], $0x10, s19, s6, $0xb8;
	[tilespmem:$0xDD00] =	vst v63  }
0x295: {  	s17 =	simm.s32 $0x4D00  }
0x296: {  	[tilespmem:s17], [sflag:$0x1] =	stream.indirect.gather [hbm4b:s4+s6], $0x10, s21, s6, $0xb8;
	[tilespmem:$0xDD00] =	vst v63  }
0x297: {  	_ = 	snop  }
0x298: {  	[tilespmem:s14], [sflag:$0x1] =	stream.indirect.gather [hbm4b:s4+s6], $0x10, s23, s6, $0xb8;
	[tilespmem:$0xDD00] =	vst v63  }
0x299: {  	s19 =	simm.s32 $0x500  }
0x29a: {  	[tilespmem:s31], [sflag:$0x1] =	stream.indirect.gather [hbm4b:s4+s6], $0x10, s19, s6, $0xb8;
	[tilespmem:$0xDD00] =	vst v63  }
0x29b: {  	s1 =	simm.s32 $0x6500;
	s3 =	simm.s32 $0x580  }
0x29c: {  	[tilespmem:s1], [sflag:$0x1] =	stream.indirect.gather [hbm4b:s4+s6], $0x10, s3, s6, $0xb8;
	[tilespmem:$0xDD00] =	vst v63  }
0x29d: {  	_ = 	snop  }
0x29e: {  	[tilespmem:s10], [sflag:$0x1] =	stream.indirect.gather [hbm4b:s4+s6], $0x10, s24, s6, $0xb8;
	[tilespmem:$0xDD00] =	vst v63  }
0x29f: {  	s17 =	simm.s32 $0x680  }
0x2a0: {  	[tilespmem:s8], [sflag:$0x1] =	stream.indirect.gather [hbm4b:s4+s6], $0x10, s17, s6, $0xb8;
	[tilespmem:$0xDD00] =	vst v63  }
0x2a1: {  	s12 =	simm.s32 $0x700;
	s19 =	simm.s32 $0x7D00  }
0x2a2: {  	[tilespmem:s19], [sflag:$0x1] =	stream.indirect.gather [hbm4b:s4+s6], $0x10, s12, s6, $0xb8;
	[tilespmem:$0xDD00] =	vst v63  }
0x2a3: {  	s24 =	simm.s32 $0x8500  }
0x2a4: {  	[tilespmem:s24], [sflag:$0x1] =	stream.indirect.gather [hbm4b:s4+s6], $0x10, s7, s6, $0xb8;
	[tilespmem:$0xDD00] =	vst v63  }
0x2a5: {  	s1 =	simm.s32 $0x8D00  }
0x2a6: {  	[tilespmem:s1], [sflag:$0x1] =	stream.indirect.gather [hbm4b:s4+s6], $0x10, s30, s6, $0xb8;
	[tilespmem:$0xDD00] =	vst v63  }
0x2a7: {  	s3 =	simm.s32 $0x880;
	s7 =	simm.s32 $0x9500  }
0x2a8: {  	[tilespmem:s7], [sflag:$0x1] =	stream.indirect.gather [hbm4b:s4+s6], $0x10, s3, s6, $0xb8;
	[tilespmem:$0xDD00] =	vst v63  }
0x2a9: {  	s8 =	simm.s32 $0x900;
	s19 =	simm.s32 $0x9D00  }
0x2aa: {  	[tilespmem:s19], [sflag:$0x1] =	stream.indirect.gather [hbm4b:s4+s6], $0x10, s8, s6, $0xb8;
	[tilespmem:$0xDD00] =	vst v63  }
0x2ab: {  	_ = 	snop  }
0x2ac: {  	[tilespmem:s28], [sflag:$0x1] =	stream.indirect.gather [hbm4b:s4+s6], $0x10, s29, s6, $0xb8;
	[tilespmem:$0xDD00] =	vst v63  }
0x2ad: {  	s10 =	simm.s32 $0xAD00;
	s1 =	simm.s32 $0xA00  }
0x2ae: {  	[tilespmem:s10], [sflag:$0x1] =	stream.indirect.gather [hbm4b:s4+s6], $0x10, s1, s6, $0xb8;
	[tilespmem:$0xDD00] =	vst v63  }
0x2af: {  	s3 =	simm.s32 $0xA80  }
0x2b0: {  	[tilespmem:s18], [sflag:$0x1] =	stream.indirect.gather [hbm4b:s4+s6], $0x10, s3, s6, $0xb8;
	[tilespmem:$0xDD00] =	vst v63  }
0x2b1: {  	s7 =	simm.s32 $0xB00  }
0x2b2: {  	[tilespmem:s20], [sflag:$0x1] =	stream.indirect.gather [hbm4b:s4+s6], $0x10, s7, s6, $0xb8;
	[tilespmem:$0xDD00] =	vst v63  }
0x2b3: {  	s8 =	simm.s32 $0xB80  }
0x2b4: {  	[tilespmem:s22], [sflag:$0x1] =	stream.indirect.gather [hbm4b:s4+s6], $0x10, s8, s6, $0xb8;
	[tilespmem:$0xDD00] =	vst v63  }
0x2b5: {  	s10 =	simm.s32 $0xC00  }
0x2b6: {  	[tilespmem:s15], [sflag:$0x1] =	stream.indirect.gather [hbm4b:s4+s6], $0x10, s10, s6, $0xb8;
	[tilespmem:$0xDD00] =	vst v63  }
0x2b7: {  	_ = 	snop  }
0x2b8: {  	[tilespmem:s13], [sflag:$0x1] =	stream.indirect.gather [hbm4b:s4+s6], $0x10, s25, s6, $0xb8;
	[tilespmem:$0xDD00] =	vst v63  }
0x2b9: {  	_ =	swait.ge [sflag:s11], $0xD000  }
0x2ba: {  	[sflag:s11] =	ssyncset.done $0x0  }
0x2bb: {  	s17 =	rddreg [dreg:$0x7];
	[sflag:s11] =	ssyncadd.s32 $0xFFFF3000  }
0x2bc: {  	[hbm4b:s17+s2] =	stream.linear.scatter [tilespmem:s5], [sflag:$0x2], $0xD000, $0x38;
	[tilespmem:$0xDD00] =	vst v63  }
0x2bd: {  	_ =	swait.ge [sflag:s9], $0xD000  }
0x2be: {  	[sflag:s9] =	ssyncset.done $0x0  }
0x2bf: {  	s17 =	rddreg [dreg:$0x8];
	[sflag:s9] =	ssyncadd.s32 $0xFFFF3000  }
0x2c0: {  	[tilespmem:s2], [sflag:$0x2] =	stream.linear.gather [hbm4b:s17+s2], $0xD00, $0x38;
	[tilespmem:$0xDD00] =	vst v63  }
0x2c1: {  	_ =	swait.ge [sflag:s9], $0xD00  }
0x2c2: {  	[sflag:s9] =	ssyncset.done $0x0  }
0x2c3: {  	[sflag:s9] =	ssyncadd.s32 $0xFFFFF300  }
0x2c4: {  	[tilespmem:s5], [sflag:$0x1] =	stream.indirect.gather [hbm4b:s4+s6], $0x10, s2, s6, $0xb8;
	[tilespmem:$0xDD00] =	vst v63  }
0x2c5: {  	s17 =	simm.s32 $0x1500  }
0x2c6: {  	[tilespmem:s17], [sflag:$0x1] =	stream.indirect.gather [hbm4b:s4+s6], $0x10, s6, s6, $0xb8;
	[tilespmem:$0xDD00] =	vst v63  }
0x2c7: {  	s0 =	simm.s32 $0x100;
	s17 =	simm.s32 $0x1D00  }
0x2c8: {  	[tilespmem:s17], [sflag:$0x1] =	stream.indirect.gather [hbm4b:s4+s6], $0x10, s0, s6, $0xb8;
	[tilespmem:$0xDD00] =	vst v63  }
0x2c9: {  	s0 =	simm.s32 $0x2500;
	s17 =	simm.s32 $0x180  }
0x2ca: {  	[tilespmem:s0], [sflag:$0x1] =	stream.indirect.gather [hbm4b:s4+s6], $0x10, s17, s6, $0xb8;
	[tilespmem:$0xDD00] =	vst v63  }
0x2cb: {  	s0 =	simm.s32 $0x200;
	s17 =	simm.s32 $0x2D00  }
0x2cc: {  	[tilespmem:s17], [sflag:$0x1] =	stream.indirect.gather [hbm4b:s4+s6], $0x10, s0, s6, $0xb8;
	[tilespmem:$0xDD00] =	vst v63  }
0x2cd: {  	s0 =	simm.s32 $0x280;
	s17 =	simm.s32 $0x3500  }
0x2ce: {  	[tilespmem:s17], [sflag:$0x1] =	stream.indirect.gather [hbm4b:s4+s6], $0x10, s0, s6, $0xb8;
	[tilespmem:$0xDD00] =	vst v63  }
0x2cf: {  	s16 =	simm.s32 $0x3D00;
	s17 =	simm.s32 $0x300  }
0x2d0: {  	[tilespmem:s16], [sflag:$0x1] =	stream.indirect.gather [hbm4b:s4+s6], $0x10, s17, s6, $0xb8;
	[tilespmem:$0xDD00] =	vst v63  }
0x2d1: {  	s26 =	simm.s32 $0x4500;
	s16 =	simm.s32 $0x380  }
0x2d2: {  	[tilespmem:s26], [sflag:$0x1] =	stream.indirect.gather [hbm4b:s4+s6], $0x10, s16, s6, $0xb8;
	[tilespmem:$0xDD00] =	vst v63  }
0x2d3: {  	s21 =	simm.s32 $0x4D00;
	s17 =	simm.s32 $0x400  }
0x2d4: {  	[tilespmem:s21], [sflag:$0x1] =	stream.indirect.gather [hbm4b:s4+s6], $0x10, s17, s6, $0xb8;
	[tilespmem:$0xDD00] =	vst v63  }
0x2d5: {  	s23 =	simm.s32 $0x480;
	s26 =	simm.s32 $0x5500  }
0x2d6: {  	[tilespmem:s26], [sflag:$0x1] =	stream.indirect.gather [hbm4b:s4+s6], $0x10, s23, s6, $0xb8;
	[tilespmem:$0xDD00] =	vst v63  }
0x2d7: {  	s14 =	simm.s32 $0x500;
	s31 =	simm.s32 $0x5D00  }
0x2d8: {  	[tilespmem:s31], [sflag:$0x1] =	stream.indirect.gather [hbm4b:s4+s6], $0x10, s14, s6, $0xb8;
	[tilespmem:$0xDD00] =	vst v63  }
0x2d9: {  	s16 =	simm.s32 $0x580;
	s17 =	simm.s32 $0x6500  }
0x2da: {  	[tilespmem:s17], [sflag:$0x1] =	stream.indirect.gather [hbm4b:s4+s6], $0x10, s16, s6, $0xb8;
	[tilespmem:$0xDD00] =	vst v63  }
0x2db: {  	s21 =	simm.s32 $0x6D00;
	s23 =	simm.s32 $0x600  }
0x2dc: {  	[tilespmem:s21], [sflag:$0x1] =	stream.indirect.gather [hbm4b:s4+s6], $0x10, s23, s6, $0xb8;
	[tilespmem:$0xDD00] =	vst v63  }
0x2dd: {  	s26 =	simm.s32 $0x680;
	s31 =	simm.s32 $0x7500  }
0x2de: {  	[tilespmem:s31], [sflag:$0x1] =	stream.indirect.gather [hbm4b:s4+s6], $0x10, s26, s6, $0xb8;
	[tilespmem:$0xDD00] =	vst v63  }
0x2df: {  	s14 =	simm.s32 $0x7D00  }
0x2e0: {  	[tilespmem:s14], [sflag:$0x1] =	stream.indirect.gather [hbm4b:s4+s6], $0x10, s12, s6, $0xb8;
	[tilespmem:$0xDD00] =	vst v63  }
0x2e1: {  	s16 =	simm.s32 $0x8500;
	s17 =	simm.s32 $0x780  }
0x2e2: {  	[tilespmem:s16], [sflag:$0x1] =	stream.indirect.gather [hbm4b:s4+s6], $0x10, s17, s6, $0xb8;
	[tilespmem:$0xDD00] =	vst v63  }
0x2e3: {  	s24 =	simm.s32 $0x800;
	s21 =	simm.s32 $0x8D00  }
0x2e4: {  	[tilespmem:s21], [sflag:$0x1] =	stream.indirect.gather [hbm4b:s4+s6], $0x10, s24, s6, $0xb8;
	[tilespmem:$0xDD00] =	vst v63  }
0x2e5: {  	s30 =	simm.s32 $0x880;
	s23 =	simm.s32 $0x9500  }
0x2e6: {  	[tilespmem:s23], [sflag:$0x1] =	stream.indirect.gather [hbm4b:s4+s6], $0x10, s30, s6, $0xb8;
	[tilespmem:$0xDD00] =	vst v63  }
0x2e7: {  	s24 =	simm.s32 $0x900  }
0x2e8: {  	[tilespmem:s19], [sflag:$0x1] =	stream.indirect.gather [hbm4b:s4+s6], $0x10, s24, s6, $0xb8;
	[tilespmem:$0xDD00] =	vst v63  }
0x2e9: {  	s28 =	simm.s32 $0x980;
	s26 =	simm.s32 $0xA500  }
0x2ea: {  	[tilespmem:s26], [sflag:$0x1] =	stream.indirect.gather [hbm4b:s4+s6], $0x10, s28, s6, $0xb8;
	[tilespmem:$0xDD00] =	vst v63  }
0x2eb: {  	s29 =	simm.s32 $0xAD00  }
0x2ec: {  	[tilespmem:s29], [sflag:$0x1] =	stream.indirect.gather [hbm4b:s4+s6], $0x10, s1, s6, $0xb8;
	[tilespmem:$0xDD00] =	vst v63  }
0x2ed: {  	s18 =	simm.s32 $0xB500  }
0x2ee: {  	[tilespmem:s18], [sflag:$0x1] =	stream.indirect.gather [hbm4b:s4+s6], $0x10, s3, s6, $0xb8;
	[tilespmem:$0xDD00] =	vst v63  }
0x2ef: {  	s20 =	simm.s32 $0xBD00  }
0x2f0: {  	[tilespmem:s20], [sflag:$0x1] =	stream.indirect.gather [hbm4b:s4+s6], $0x10, s7, s6, $0xb8;
	[tilespmem:$0xDD00] =	vst v63  }
0x2f1: {  	s22 =	simm.s32 $0xC500  }
0x2f2: {  	[tilespmem:s22], [sflag:$0x1] =	stream.indirect.gather [hbm4b:s4+s6], $0x10, s8, s6, $0xb8;
	[tilespmem:$0xDD00] =	vst v63  }
0x2f3: {  	_ = 	snop  }
0x2f4: {  	[tilespmem:s15], [sflag:$0x1] =	stream.indirect.gather [hbm4b:s4+s6], $0x10, s10, s6, $0xb8;
	[tilespmem:$0xDD00] =	vst v63  }
0x2f5: {  	_ = 	snop  }
0x2f6: {  	[tilespmem:s13], [sflag:$0x1] =	stream.indirect.gather [hbm4b:s4+s6], $0x10, s25, s6, $0xb8;
	[tilespmem:$0xDD00] =	vst v63  }
0x2f7: {  	_ =	swait.ge [sflag:s11], $0xD000  }
0x2f8: {  	[sflag:s11] =	ssyncset.done $0x0  }
0x2f9: {  	s30 =	rddreg [dreg:$0x9];
	[sflag:s11] =	ssyncadd.s32 $0xFFFF3000  }
0x2fa: {  	[hbm4b:s30+s2] =	stream.linear.scatter [tilespmem:s5], [sflag:$0x2], $0xD000, $0x38;
	[tilespmem:$0xDD00] =	vst v63  }
0x2fb: {  	_ =	swait.ge [sflag:s9], $0xD000  }
0x2fc: {  	[sflag:s9] =	ssyncset.done $0x0  }
0x2fd: {  	[sflag:s9] =	ssyncadd.s32 $0xFFFF3000  }
0x2fe: {  	_ =	sfence.sel $0x180000  }
0x2ff: {  	[bflag:$0x0] =	sbarrier.arrive $0xFFFF  }
0x300: {  	_ =	strace $0x90000047  }
0x301: {  	s31 =	stileid.u32;
	[bflag:$0x2] =	sbarrier.arrive $0xFFFF  }
0x302: {  	p0 =	sne.s32 s31, $0x0;
	s0 =	rddreg [dreg:$0x2]  }
0x303: {  	s0 =	sadd.s32 @!p0 $0x100000, s0  }
0x304: {  	[sflag:s0] =	ssyncadd.tile.s32 @!p0 $0x1;
	_ =	shalt  }
.LBB2_1:
.Ltmp3:
0x305: {  	(pc) =	sbr.rel .LBB2_6-.Ltmp3, $2  }
0x306: {  	_ =	sdelay $0x2  }
0x307: {  	s0 =	rddreg [dreg:$0xa]  }
.LBB2_7:
.Ltmp4:
0x308: {  	(pc) =	sbr.rel .LBB2_6-.Ltmp4, $2  }
0x309: {  	_ =	sdelay $0x2  }
0x30a: {  	s0 =	rddreg [dreg:$0xa]  }
.Lfunc_end2:
_tile_overlayer_lowered:
.L_overlay_start_2:
0x30b: {  	(tag) =	ssettag $0x2  }
0x30c: {  	s0 =	rddreg [dreg:$0x0];
	s2 =	stileid.u32  }
0x30d: {  	s1 =	rddreg [dreg:$0x1];
	p0 =	sne.s32 s2, $0x0  }
0x30e: {  	s3 =	rddreg [dreg:$0x2];
	[bflag:$0x3] =	sbarrier.arrive $0xFFFF;
	s2 =	simm.s32 @!p0 $0x1C02  }
0x30f: {  	[timem:s3], [sflag:s2] =	dma.local @!p0 [hbm:s0], s1  }
0x310: {  	s0 =	simm.s32 @!p0 $0x2  }
0x311: {  	_ =	swait.ge @!p0 [sflag:s0], s1  }
0x312: {  	s1 =	ssub.s32 @!p0 $0x0, s1;
	[sflag:s0] =	ssyncset.done @!p0 $0x0  }
0x313: {  	[sflag:s0] =	ssyncadd.s32 @!p0 s1  }
0x314: {  	[bflag:$0x3] =	sbarrier.arrive $0xFFFF  }
0x315: {  	_ =	shalt  }

</sc_bundles>
